<compile_context>
chip_gen: v7x
topology: tpu7x:2x2x1
jax: 0.10.2.dev20260603
libtpu: 0.0.44.dev20260713+nightly
codegen_flags: <defaults>
</compile_context>

<pallas_src>
import functools

import jax
import jax.numpy as jnp
from jax import lax
from jax.experimental import pallas as pl
from jax.experimental.pallas import tpu as pltpu
from jax.experimental.pallas import tpu_sc as plsc

_L = 16
_G = 4


def _cauchy_sc(x2, y, distance, rs16):
    N = distance.shape[0]
    B = y.shape[0]
    NC, NS = 2, 16
    NW = NC * NS
    RPW = B // NW
    G = _G
    CHUNKS = RPW // G

    mesh = plsc.VectorSubcoreMesh(core_axis_name="c", subcore_axis_name="s")

    @functools.partial(
        pl.kernel,
        mesh=mesh,
        out_type=jax.ShapeDtypeStruct((B * B,), jnp.float32),
        compiler_params=pltpu.CompilerParams(
            use_tc_tiling_on_sc=False, needs_layout_passes=False
        ),
        scratch_types=[
            pltpu.VMEM((B,), jnp.int32),
            pltpu.VMEM((CHUNKS, G), jnp.int32),
            pltpu.VMEM((G, N), jnp.float32),
            pltpu.VMEM((G, N), jnp.float32),
            pltpu.VMEM((G * B,), jnp.float32),
            pltpu.VMEM((G * B,), jnp.float32),
            pltpu.VMEM((_L,), jnp.float32),
            pltpu.SemaphoreType.DMA,
            pltpu.SemaphoreType.DMA,
            pltpu.SemaphoreType.DMA,
            pltpu.SemaphoreType.DMA,
        ],
    )
    def k(x2_hbm, y_hbm, dist_hbm, rs_hbm, out_hbm,
          y_v, x2_v, rows0, rows1, outb0, outb1, rs_v,
          gsem0, gsem1, wsem0, wsem1):
        wid = lax.axis_index("s") * NC + lax.axis_index("c")
        base = wid * RPW

        rows = (rows0, rows1)
        outs = (outb0, outb1)
        gsems = (gsem0, gsem1)
        wsems = (wsem0, wsem1)

        def start_gather(cc, b):
            pltpu.async_copy(dist_hbm.at[x2_v.at[cc]], rows[b], gsems[b])

        def wait_gather(b):
            pltpu.make_async_copy(
                dist_hbm.at[pl.ds(0, G)], rows[b], gsems[b]
            ).wait()

        def start_wb(cc, b):
            dst = pl.multiple_of((base + cc * G) * B, G * B)
            pltpu.async_copy(outs[b], out_hbm.at[pl.ds(dst, G * B)], wsems[b])

        def wait_wb(b):
            pltpu.make_async_copy(
                outs[b], out_hbm.at[pl.ds(0, G * B)], wsems[b]
            ).wait()

        pltpu.sync_copy(x2_hbm.at[pl.ds(wid * CHUNKS, CHUNKS)], x2_v)
        start_gather(0, 0)
        start_gather(1, 1)
        pltpu.sync_copy(y_hbm, y_v)
        pltpu.sync_copy(rs_hbm, rs_v)
        rs = rs_v[...]
        one = jnp.ones((_L,), jnp.float32)

        def pipe_body(it, carry):
            for b in range(2):
                cc = it * 2 + b

                wait_gather(b)

                @pl.when(cc >= 2)
                def _():
                    wait_wb(b)

                rb = rows[b]
                ob = outs[b]

                @plsc.parallel_loop(0, B, _L, unroll=8)
                def compute(o):
                    col = y_v[pl.ds(o, _L)]
                    for r in range(G):
                        vals = plsc.load_gather(rb.at[r], [col])
                        ob[pl.ds(r * B + o, _L)] = one / (one + vals * rs)

                @pl.when(cc + 2 < CHUNKS)
                def _():
                    start_gather(cc + 2, b)

                start_wb(cc, b)
            return carry

        lax.fori_loop(0, CHUNKS // 2, pipe_body, 0)
        wait_wb(0)
        wait_wb(1)

    return k(x2, y, distance, rs16)


def kernel(x, y, distance, scale):
    x = x.astype(jnp.int32)
    y = y.astype(jnp.int32)
    s = jnp.clip(jax.nn.softplus(scale), 1e-10, 10000.0)
    rs16 = jnp.full((_L,), 1.0, jnp.float32) / s[0]
    B = x.shape[0]
    out = _cauchy_sc(x.reshape(B // _G, _G), y, distance, rs16)
    return out.reshape(B, B)

# --- scband reference (transcript-rebuilt; emitter-appended) ---
"""Pipeline reference for scband-cauchy-kernel-6210522710020 (READ-ONLY COPY).

The authoritative reference and input builder live on the scoring server;
editing this copy changes nothing except your own understanding.
"""

import jax, jax.numpy as jnp
import numpy as np

N = 8192
B = 4096

def setup_inputs(seed: int = 0) -> dict:
    key = jax.random.key(seed)
    k1, k2, k3 = jax.random.split(key, 3)
    # Buffer: precomputed pairwise distance matrix (nonnegative)
    distance = jax.random.uniform(k1, (N, N), dtype=jnp.float32) * 10.0
    x = jax.random.randint(k2, (B,), 0, N, dtype=jnp.int64)
    y = jax.random.randint(k3, (B,), 0, N, dtype=jnp.int64)
    # Learned scale parameter (fixed_scale=None -> trainable)
    scale = jnp.ones((1,), dtype=jnp.float32)
    return {"x": x, "y": y, "distance": distance, "scale": scale}

def reference(x, y, distance, scale):
    # distance[x][:, y] : two-stage gather (row gather then column gather)
    rows = jnp.take(distance, x.astype(jnp.int32), axis=0)          # [B, N]
    distance_matrix = jnp.take(rows, y.astype(jnp.int32), axis=1)   # [B, B]
    s = jnp.clip(jax.nn.softplus(scale), 1e-10, 10000.0)
    res = 1.0 / (1.0 + distance_matrix / s)
    return res

if __name__ == "__main__":
    import jax
    _d = setup_inputs()
    print(jax.jit(kernel)(*tuple(_d.values())))

</pallas_src>

<mosaic_0001>
#map = affine_map<(d0, d1) -> (0, 0)>
#map1 = affine_map<(d0, d1) -> (0)>
module attributes {stable_mosaic.version = 14 : i64} {
  func.func @k(%arg0: i32, %arg1: i32, %arg2: memref<1024x4xi32, #tpu.memory_space<hbm>>, %arg3: memref<4096xi32, #tpu.memory_space<hbm>>, %arg4: memref<8192x8192xf32, #tpu.memory_space<hbm>>, %arg5: memref<16xf32, #tpu.memory_space<hbm>>, %arg6: memref<16777216xf32, #tpu.memory_space<hbm>>, %arg7: memref<4096xi32, #tpu.memory_space<vmem>>, %arg8: memref<32x4xi32, #tpu.memory_space<vmem>>, %arg9: memref<4x8192xf32, #tpu.memory_space<vmem>>, %arg10: memref<4x8192xf32, #tpu.memory_space<vmem>>, %arg11: memref<16384xf32, #tpu.memory_space<vmem>>, %arg12: memref<16384xf32, #tpu.memory_space<vmem>>, %arg13: memref<16xf32, #tpu.memory_space<vmem>>, %arg14: memref<!tpu.dma_semaphore, #tpu.memory_space<semaphore_mem>>, %arg15: memref<!tpu.dma_semaphore, #tpu.memory_space<semaphore_mem>>, %arg16: memref<!tpu.dma_semaphore, #tpu.memory_space<semaphore_mem>>, %arg17: memref<!tpu.dma_semaphore, #tpu.memory_space<semaphore_mem>>) attributes {dimension_semantics = [#tpu.dimension_semantics<core_parallel>, #tpu.dimension_semantics<subcore_parallel>], iteration_bounds = array<i64: 2, 16>, scalar_prefetch = 0 : i64, scratch_operands = 11 : i64, tpu.core_type = #tpu.core_type<sc_vector_subcore>, window_params = [{transform_indices = #map}, {transform_indices = #map1}, {transform_indices = #map}, {transform_indices = #map1}, {transform_indices = #map1}]} {
    %mul3A = arith.constant 2 : i32
    %mul3A_0 = arith.muli %arg1, %mul3A : i32
    %add3A = arith.addi %mul3A_0, %arg0 : i32
    %mul3A_1 = arith.constant 128 : i32
    %mul3A_2 = arith.muli %add3A, %mul3A_1 : i32
    %mul3A_3 = arith.constant 32 : i32
    %mul3A_4 = arith.muli %add3A, %mul3A_3 : i32
    "tpu.region"() ({
      %run_scoped3A = tpu.sem_alloc : memref<!tpu.dma_semaphore, #tpu.memory_space<semaphore_mem>>
      %dma_start3A_32 = arith.constant 0 : i32
      %dma_start3A_33 = tpu.memref_slice %arg2[%mul3A_4, %dma_start3A_32] : memref<1024x4xi32, #tpu.memory_space<hbm>> -> memref<32x4xi32, #tpu.memory_space<hbm>>
      %dma_start3A_34 = arith.constant 0 : i32
      %dma_start3A_35 = tpu.memref_slice %arg2[%mul3A_4, %dma_start3A_34] : memref<1024x4xi32, #tpu.memory_space<hbm>> -> memref<32x4xi32, #tpu.memory_space<hbm>>
      tpu.enqueue_dma source(%dma_start3A_35 : memref<32x4xi32, #tpu.memory_space<hbm>>) target(%arg8 : memref<32x4xi32, #tpu.memory_space<vmem>>) target_semaphore(%run_scoped3A : memref<!tpu.dma_semaphore, #tpu.memory_space<semaphore_mem>>)
      %dma_wait3A_36 = arith.constant 0 : i32
      %dma_wait3A_37 = tpu.memref_slice %arg2[%mul3A_4, %dma_wait3A_36] : memref<1024x4xi32, #tpu.memory_space<hbm>> -> memref<32x4xi32, #tpu.memory_space<hbm>>
      %dma_wait3A_38 = arith.constant 0 : i32
      %dma_wait3A_39 = tpu.memref_slice %arg2[%mul3A_4, %dma_wait3A_38] : memref<1024x4xi32, #tpu.memory_space<hbm>> -> memref<32x4xi32, #tpu.memory_space<hbm>>
      tpu.wait_dma2 semaphore(%run_scoped3A : memref<!tpu.dma_semaphore, #tpu.memory_space<semaphore_mem>>) src(%dma_wait3A_39 : memref<32x4xi32, #tpu.memory_space<hbm>>) dst(%arg8 : memref<32x4xi32, #tpu.memory_space<vmem>>)
      tpu.yield
    }) : () -> ()
    %dma_start3A = arith.constant 0 : i32
    %dma_start3A_5 = arith.constant 0 : i32
    %dma_start3A_6 = tpu.memref_slice %arg8[%dma_start3A, %dma_start3A_5] : memref<32x4xi32, #tpu.memory_space<vmem>> -> memref<1x4xi32, #tpu.memory_space<vmem>>
    %dma_start3A_7 = tpu.memref_squeeze %dma_start3A_6 : memref<1x4xi32, #tpu.memory_space<vmem>> -> memref<4xi32, #tpu.memory_space<vmem>>
    %dma_start3A_8 = arith.constant 0 : i32
    %dma_start3A_9 = arith.constant 0 : i32
    %dma_start3A_10 = tpu.memref_slice %arg4[%dma_start3A_8, %dma_start3A_9] : memref<8192x8192xf32, #tpu.memory_space<hbm>> -> memref<8192x8192xf32, #tpu.memory_space<hbm>>
    tpu.enqueue_indirect_dma source(%dma_start3A_10 : memref<8192x8192xf32, #tpu.memory_space<hbm>>) target(%arg9 : memref<4x8192xf32, #tpu.memory_space<vmem>>) offsets(%dma_start3A_7 : memref<4xi32, #tpu.memory_space<vmem>>) semaphore(%arg14 : memref<!tpu.dma_semaphore, #tpu.memory_space<semaphore_mem>>)
    %dma_start3A_11 = arith.constant 1 : i32
    %dma_start3A_12 = arith.constant 0 : i32
    %dma_start3A_13 = tpu.memref_slice %arg8[%dma_start3A_11, %dma_start3A_12] : memref<32x4xi32, #tpu.memory_space<vmem>> -> memref<1x4xi32, #tpu.memory_space<vmem>>
    %dma_start3A_14 = tpu.memref_squeeze %dma_start3A_13 : memref<1x4xi32, #tpu.memory_space<vmem>> -> memref<4xi32, #tpu.memory_space<vmem>>
    %dma_start3A_15 = arith.constant 0 : i32
    %dma_start3A_16 = arith.constant 0 : i32
    %dma_start3A_17 = tpu.memref_slice %arg4[%dma_start3A_15, %dma_start3A_16] : memref<8192x8192xf32, #tpu.memory_space<hbm>> -> memref<8192x8192xf32, #tpu.memory_space<hbm>>
    tpu.enqueue_indirect_dma source(%dma_start3A_17 : memref<8192x8192xf32, #tpu.memory_space<hbm>>) target(%arg10 : memref<4x8192xf32, #tpu.memory_space<vmem>>) offsets(%dma_start3A_14 : memref<4xi32, #tpu.memory_space<vmem>>) semaphore(%arg15 : memref<!tpu.dma_semaphore, #tpu.memory_space<semaphore_mem>>)
    "tpu.region"() ({
      %run_scoped3A = tpu.sem_alloc : memref<!tpu.dma_semaphore, #tpu.memory_space<semaphore_mem>>
      tpu.enqueue_dma source(%arg3 : memref<4096xi32, #tpu.memory_space<hbm>>) target(%arg7 : memref<4096xi32, #tpu.memory_space<vmem>>) target_semaphore(%run_scoped3A : memref<!tpu.dma_semaphore, #tpu.memory_space<semaphore_mem>>)
      tpu.wait_dma2 semaphore(%run_scoped3A : memref<!tpu.dma_semaphore, #tpu.memory_space<semaphore_mem>>) src(%arg3 : memref<4096xi32, #tpu.memory_space<hbm>>) dst(%arg7 : memref<4096xi32, #tpu.memory_space<vmem>>)
      tpu.yield
    }) : () -> ()
    "tpu.region"() ({
      %run_scoped3A = tpu.sem_alloc : memref<!tpu.dma_semaphore, #tpu.memory_space<semaphore_mem>>
      tpu.enqueue_dma source(%arg5 : memref<16xf32, #tpu.memory_space<hbm>>) target(%arg13 : memref<16xf32, #tpu.memory_space<vmem>>) target_semaphore(%run_scoped3A : memref<!tpu.dma_semaphore, #tpu.memory_space<semaphore_mem>>)
      tpu.wait_dma2 semaphore(%run_scoped3A : memref<!tpu.dma_semaphore, #tpu.memory_space<semaphore_mem>>) src(%arg5 : memref<16xf32, #tpu.memory_space<hbm>>) dst(%arg13 : memref<16xf32, #tpu.memory_space<vmem>>)
      tpu.yield
    }) : () -> ()
    %get3A = arith.constant 0 : index
    %get3A_18 = tpu.vector_load %arg13[%get3A] {strides = array<i32>} : memref<16xf32, #tpu.memory_space<vmem>>, vector<16xf32>,
    %broadcast_in_dim3A = arith.constant 1.000000e+00 : f32
    %broadcast_in_dim3A_19 = vector.broadcast %broadcast_in_dim3A : f32 to vector<16xf32>
    %scan3A = arith.constant 0 : i32
    %scan3A_20 = arith.constant 0 : i32
    %scan3A_21 = arith.constant 16 : i32
    %scan3A_22 = arith.addi %scan3A_20, %scan3A_21 : i32
    %scan3A_23 = arith.constant 1 : i32
    scf.for %scan3A_32 = %scan3A_20 to %scan3A_22 step %scan3A_23  : i32 {
      %mul3A_33 = arith.constant 2 : i32
      %mul3A_34 = arith.muli %scan3A_32, %mul3A_33 : i32
      %add3A_35 = arith.constant 0 : i32
      %add3A_36 = arith.addi %mul3A_34, %add3A_35 : i32
      %dma_wait3A_37 = arith.constant 0 : i32
      %dma_wait3A_38 = arith.constant 0 : i32
      %dma_wait3A_39 = tpu.memref_slice %arg4[%dma_wait3A_37, %dma_wait3A_38] : memref<8192x8192xf32, #tpu.memory_space<hbm>> -> memref<4x8192xf32, #tpu.memory_space<hbm>>
      %dma_wait3A_40 = arith.constant 0 : i32
      %dma_wait3A_41 = arith.constant 0 : i32
      %dma_wait3A_42 = tpu.memref_slice %arg4[%dma_wait3A_40, %dma_wait3A_41] : memref<8192x8192xf32, #tpu.memory_space<hbm>> -> memref<4x8192xf32, #tpu.memory_space<hbm>>
      tpu.wait_dma2 semaphore(%arg14 : memref<!tpu.dma_semaphore, #tpu.memory_space<semaphore_mem>>) src(%dma_wait3A_42 : memref<4x8192xf32, #tpu.memory_space<hbm>>) dst(%arg9 : memref<4x8192xf32, #tpu.memory_space<vmem>>)
      %ge3A = arith.constant 2 : i32
      %ge3A_43 = arith.cmpi sge, %add3A_36, %ge3A : i32
      %convert_element_type3A = arith.extui %ge3A_43 : i1 to i32
      %cond3A = arith.constant 0 : i32
      %cond3A_44 = arith.cmpi ne, %convert_element_type3A, %cond3A : i32
      scf.if %cond3A_44 {
        %dma_wait3A_93 = arith.constant 0 : i32
        %dma_wait3A_94 = tpu.memref_slice %arg6[%dma_wait3A_93] : memref<16777216xf32, #tpu.memory_space<hbm>> -> memref<16384xf32, #tpu.memory_space<hbm>>
        %dma_wait3A_95 = arith.constant 0 : i32
        %dma_wait3A_96 = tpu.memref_slice %arg6[%dma_wait3A_95] : memref<16777216xf32, #tpu.memory_space<hbm>> -> memref<16384xf32, #tpu.memory_space<hbm>>
        tpu.wait_dma2 semaphore(%arg16 : memref<!tpu.dma_semaphore, #tpu.memory_space<semaphore_mem>>) src(%arg11 : memref<16384xf32, #tpu.memory_space<vmem>>) dst(%dma_wait3A_96 : memref<16384xf32, #tpu.memory_space<hbm>>)
      } else {
      }
      %parallel_loop3A = arith.constant 0 : i32
      %parallel_loop3A_45 = arith.constant 4096 : i32
      %parallel_loop3A_46 = arith.constant 16 : i32
      scf.for %parallel_loop3A_93 = %parallel_loop3A to %parallel_loop3A_45 step %parallel_loop3A_46  : i32 {
        %parallel_loop3A_94 = arith.index_cast %parallel_loop3A_93 : i32 to index
        %parallel_loop3A_95 = tpu.vector_load %arg7[%parallel_loop3A_94] {strides = array<i32>} : memref<4096xi32, #tpu.memory_space<vmem>>, vector<16xi32>,
        %parallel_loop3A_96 = arith.constant 0 : i32
        %parallel_loop3A_97 = arith.constant 0 : i32
        %parallel_loop3A_98 = tpu.memref_slice %arg9[%parallel_loop3A_96, %parallel_loop3A_97] : memref<4x8192xf32, #tpu.memory_space<vmem>> -> memref<1x8192xf32, #tpu.memory_space<vmem>>
        %parallel_loop3A_99 = tpu.memref_squeeze %parallel_loop3A_98 : memref<1x8192xf32, #tpu.memory_space<vmem>> -> memref<8192xf32, #tpu.memory_space<vmem>>
        %parallel_loop3A_100 = tpu.vector_load_idx %parallel_loop3A_99[%parallel_loop3A_95] : memref<8192xf32, #tpu.memory_space<vmem>>[vector<16xi32>], vector<16xf32>,
        %parallel_loop3A_101 = arith.mulf %parallel_loop3A_100, %get3A_18 : vector<16xf32>
        %parallel_loop3A_102 = arith.addf %broadcast_in_dim3A_19, %parallel_loop3A_101 : vector<16xf32>
        %parallel_loop3A_103 = arith.divf %broadcast_in_dim3A_19, %parallel_loop3A_102 : vector<16xf32>
        %parallel_loop3A_104 = arith.constant 0 : i32
        %parallel_loop3A_105 = arith.addi %parallel_loop3A_104, %parallel_loop3A_93 : i32
        %parallel_loop3A_106 = arith.index_cast %parallel_loop3A_105 : i32 to index
        %parallel_loop3A_107 = tpu.vector_load %arg11[%parallel_loop3A_106] {strides = array<i32>} : memref<16384xf32, #tpu.memory_space<vmem>>, vector<16xf32>,
        tpu.vector_store %arg11[%parallel_loop3A_106], %parallel_loop3A_103 {strides = array<i32>} : memref<16384xf32, #tpu.memory_space<vmem>>, vector<16xf32>,
        %parallel_loop3A_108 = arith.constant 1 : i32
        %parallel_loop3A_109 = arith.constant 0 : i32
        %parallel_loop3A_110 = tpu.memref_slice %arg9[%parallel_loop3A_108, %parallel_loop3A_109] : memref<4x8192xf32, #tpu.memory_space<vmem>> -> memref<1x8192xf32, #tpu.memory_space<vmem>>
        %parallel_loop3A_111 = tpu.memref_squeeze %parallel_loop3A_110 : memref<1x8192xf32, #tpu.memory_space<vmem>> -> memref<8192xf32, #tpu.memory_space<vmem>>
        %parallel_loop3A_112 = tpu.vector_load_idx %parallel_loop3A_111[%parallel_loop3A_95] : memref<8192xf32, #tpu.memory_space<vmem>>[vector<16xi32>], vector<16xf32>,
        %parallel_loop3A_113 = arith.mulf %parallel_loop3A_112, %get3A_18 : vector<16xf32>
        %parallel_loop3A_114 = arith.addf %broadcast_in_dim3A_19, %parallel_loop3A_113 : vector<16xf32>
        %parallel_loop3A_115 = arith.divf %broadcast_in_dim3A_19, %parallel_loop3A_114 : vector<16xf32>
        %parallel_loop3A_116 = arith.constant 4096 : i32
        %parallel_loop3A_117 = arith.addi %parallel_loop3A_116, %parallel_loop3A_93 : i32
        %parallel_loop3A_118 = arith.index_cast %parallel_loop3A_117 : i32 to index
        %parallel_loop3A_119 = tpu.vector_load %arg11[%parallel_loop3A_118] {strides = array<i32>} : memref<16384xf32, #tpu.memory_space<vmem>>, vector<16xf32>,
        tpu.vector_store %arg11[%parallel_loop3A_118], %parallel_loop3A_115 {strides = array<i32>} : memref<16384xf32, #tpu.memory_space<vmem>>, vector<16xf32>,
        %parallel_loop3A_120 = arith.constant 2 : i32
        %parallel_loop3A_121 = arith.constant 0 : i32
        %parallel_loop3A_122 = tpu.memref_slice %arg9[%parallel_loop3A_120, %parallel_loop3A_121] : memref<4x8192xf32, #tpu.memory_space<vmem>> -> memref<1x8192xf32, #tpu.memory_space<vmem>>
        %parallel_loop3A_123 = tpu.memref_squeeze %parallel_loop3A_122 : memref<1x8192xf32, #tpu.memory_space<vmem>> -> memref<8192xf32, #tpu.memory_space<vmem>>
        %parallel_loop3A_124 = tpu.vector_load_idx %parallel_loop3A_123[%parallel_loop3A_95] : memref<8192xf32, #tpu.memory_space<vmem>>[vector<16xi32>], vector<16xf32>,
        %parallel_loop3A_125 = arith.mulf %parallel_loop3A_124, %get3A_18 : vector<16xf32>
        %parallel_loop3A_126 = arith.addf %broadcast_in_dim3A_19, %parallel_loop3A_125 : vector<16xf32>
        %parallel_loop3A_127 = arith.divf %broadcast_in_dim3A_19, %parallel_loop3A_126 : vector<16xf32>
        %parallel_loop3A_128 = arith.constant 8192 : i32
        %parallel_loop3A_129 = arith.addi %parallel_loop3A_128, %parallel_loop3A_93 : i32
        %parallel_loop3A_130 = arith.index_cast %parallel_loop3A_129 : i32 to index
        %parallel_loop3A_131 = tpu.vector_load %arg11[%parallel_loop3A_130] {strides = array<i32>} : memref<16384xf32, #tpu.memory_space<vmem>>, vector<16xf32>,
        tpu.vector_store %arg11[%parallel_loop3A_130], %parallel_loop3A_127 {strides = array<i32>} : memref<16384xf32, #tpu.memory_space<vmem>>, vector<16xf32>,
        %parallel_loop3A_132 = arith.constant 3 : i32
        %parallel_loop3A_133 = arith.constant 0 : i32
        %parallel_loop3A_134 = tpu.memref_slice %arg9[%parallel_loop3A_132, %parallel_loop3A_133] : memref<4x8192xf32, #tpu.memory_space<vmem>> -> memref<1x8192xf32, #tpu.memory_space<vmem>>
        %parallel_loop3A_135 = tpu.memref_squeeze %parallel_loop3A_134 : memref<1x8192xf32, #tpu.memory_space<vmem>> -> memref<8192xf32, #tpu.memory_space<vmem>>
        %parallel_loop3A_136 = tpu.vector_load_idx %parallel_loop3A_135[%parallel_loop3A_95] : memref<8192xf32, #tpu.memory_space<vmem>>[vector<16xi32>], vector<16xf32>,
        %parallel_loop3A_137 = arith.mulf %parallel_loop3A_136, %get3A_18 : vector<16xf32>
        %parallel_loop3A_138 = arith.addf %broadcast_in_dim3A_19, %parallel_loop3A_137 : vector<16xf32>
        %parallel_loop3A_139 = arith.divf %broadcast_in_dim3A_19, %parallel_loop3A_138 : vector<16xf32>
        %parallel_loop3A_140 = arith.constant 12288 : i32
        %parallel_loop3A_141 = arith.addi %parallel_loop3A_140, %parallel_loop3A_93 : i32
        %parallel_loop3A_142 = arith.index_cast %parallel_loop3A_141 : i32 to index
        %parallel_loop3A_143 = tpu.vector_load %arg11[%parallel_loop3A_142] {strides = array<i32>} : memref<16384xf32, #tpu.memory_space<vmem>>, vector<16xf32>,
        tpu.vector_store %arg11[%parallel_loop3A_142], %parallel_loop3A_139 {strides = array<i32>} : memref<16384xf32, #tpu.memory_space<vmem>>, vector<16xf32>,
      } {sc.loop_unroll_factor = 8 : i64, sc.parallel_access}
      %add3A_47 = arith.constant 2 : i32
      %add3A_48 = arith.addi %add3A_36, %add3A_47 : i32
      %lt3A = arith.constant 32 : i32
      %lt3A_49 = arith.cmpi slt, %add3A_48, %lt3A : i32
      %convert_element_type3A_50 = arith.extui %lt3A_49 : i1 to i32
      %cond3A_51 = arith.constant 0 : i32
      %cond3A_52 = arith.cmpi ne, %convert_element_type3A_50, %cond3A_51 : i32
      scf.if %cond3A_52 {
        %add3A_93 = arith.constant 2 : i32
        %add3A_94 = arith.addi %add3A_36, %add3A_93 : i32
        %dma_start3A_95 = arith.constant 0 : i32
        %dma_start3A_96 = tpu.memref_slice %arg8[%add3A_94, %dma_start3A_95] : memref<32x4xi32, #tpu.memory_space<vmem>> -> memref<1x4xi32, #tpu.memory_space<vmem>>
        %dma_start3A_97 = tpu.memref_squeeze %dma_start3A_96 : memref<1x4xi32, #tpu.memory_space<vmem>> -> memref<4xi32, #tpu.memory_space<vmem>>
        %dma_start3A_98 = arith.constant 0 : i32
        %dma_start3A_99 = arith.constant 0 : i32
        %dma_start3A_100 = tpu.memref_slice %arg4[%dma_start3A_98, %dma_start3A_99] : memref<8192x8192xf32, #tpu.memory_space<hbm>> -> memref<8192x8192xf32, #tpu.memory_space<hbm>>
        tpu.enqueue_indirect_dma source(%dma_start3A_100 : memref<8192x8192xf32, #tpu.memory_space<hbm>>) target(%arg9 : memref<4x8192xf32, #tpu.memory_space<vmem>>) offsets(%dma_start3A_97 : memref<4xi32, #tpu.memory_space<vmem>>) semaphore(%arg14 : memref<!tpu.dma_semaphore, #tpu.memory_space<semaphore_mem>>)
      } else {
      }
      %mul3A_53 = arith.constant 4 : i32
      %mul3A_54 = arith.muli %add3A_36, %mul3A_53 : i32
      %add3A_55 = arith.addi %mul3A_2, %mul3A_54 : i32
      %mul3A_56 = arith.constant 4096 : i32
      %mul3A_57 = arith.muli %add3A_55, %mul3A_56 : i32
      %multiple_of3A = tpu.assume_multiple %mul3A_57, 16384 : i32
      %dma_start3A_58 = tpu.memref_slice %arg6[%multiple_of3A] : memref<16777216xf32, #tpu.memory_space<hbm>> -> memref<16384xf32, #tpu.memory_space<hbm>>
      %dma_start3A_59 = tpu.memref_slice %arg6[%multiple_of3A] : memref<16777216xf32, #tpu.memory_space<hbm>> -> memref<16384xf32, #tpu.memory_space<hbm>>
      tpu.enqueue_dma source(%arg11 : memref<16384xf32, #tpu.memory_space<vmem>>) target(%dma_start3A_59 : memref<16384xf32, #tpu.memory_space<hbm>>) target_semaphore(%arg16 : memref<!tpu.dma_semaphore, #tpu.memory_space<semaphore_mem>>)
      %mul3A_60 = arith.constant 2 : i32
      %mul3A_61 = arith.muli %scan3A_32, %mul3A_60 : i32
      %add3A_62 = arith.constant 1 : i32
      %add3A_63 = arith.addi %mul3A_61, %add3A_62 : i32
      %dma_wait3A_64 = arith.constant 0 : i32
      %dma_wait3A_65 = arith.constant 0 : i32
      %dma_wait3A_66 = tpu.memref_slice %arg4[%dma_wait3A_64, %dma_wait3A_65] : memref<8192x8192xf32, #tpu.memory_space<hbm>> -> memref<4x8192xf32, #tpu.memory_space<hbm>>
      %dma_wait3A_67 = arith.constant 0 : i32
      %dma_wait3A_68 = arith.constant 0 : i32
      %dma_wait3A_69 = tpu.memref_slice %arg4[%dma_wait3A_67, %dma_wait3A_68] : memref<8192x8192xf32, #tpu.memory_space<hbm>> -> memref<4x8192xf32, #tpu.memory_space<hbm>>
      tpu.wait_dma2 semaphore(%arg15 : memref<!tpu.dma_semaphore, #tpu.memory_space<semaphore_mem>>) src(%dma_wait3A_69 : memref<4x8192xf32, #tpu.memory_space<hbm>>) dst(%arg10 : memref<4x8192xf32, #tpu.memory_space<vmem>>)
      %ge3A_70 = arith.constant 2 : i32
      %ge3A_71 = arith.cmpi sge, %add3A_63, %ge3A_70 : i32
      %convert_element_type3A_72 = arith.extui %ge3A_71 : i1 to i32
      %cond3A_73 = arith.constant 0 : i32
      %cond3A_74 = arith.cmpi ne, %convert_element_type3A_72, %cond3A_73 : i32
      scf.if %cond3A_74 {
        %dma_wait3A_93 = arith.constant 0 : i32
        %dma_wait3A_94 = tpu.memref_slice %arg6[%dma_wait3A_93] : memref<16777216xf32, #tpu.memory_space<hbm>> -> memref<16384xf32, #tpu.memory_space<hbm>>
        %dma_wait3A_95 = arith.constant 0 : i32
        %dma_wait3A_96 = tpu.memref_slice %arg6[%dma_wait3A_95] : memref<16777216xf32, #tpu.memory_space<hbm>> -> memref<16384xf32, #tpu.memory_space<hbm>>
        tpu.wait_dma2 semaphore(%arg17 : memref<!tpu.dma_semaphore, #tpu.memory_space<semaphore_mem>>) src(%arg12 : memref<16384xf32, #tpu.memory_space<vmem>>) dst(%dma_wait3A_96 : memref<16384xf32, #tpu.memory_space<hbm>>)
      } else {
      }
      %parallel_loop3A_75 = arith.constant 0 : i32
      %parallel_loop3A_76 = arith.constant 4096 : i32
      %parallel_loop3A_77 = arith.constant 16 : i32
      scf.for %parallel_loop3A_93 = %parallel_loop3A_75 to %parallel_loop3A_76 step %parallel_loop3A_77  : i32 {
        %parallel_loop3A_94 = arith.index_cast %parallel_loop3A_93 : i32 to index
        %parallel_loop3A_95 = tpu.vector_load %arg7[%parallel_loop3A_94] {strides = array<i32>} : memref<4096xi32, #tpu.memory_space<vmem>>, vector<16xi32>,
        %parallel_loop3A_96 = arith.constant 0 : i32
        %parallel_loop3A_97 = arith.constant 0 : i32
        %parallel_loop3A_98 = tpu.memref_slice %arg10[%parallel_loop3A_96, %parallel_loop3A_97] : memref<4x8192xf32, #tpu.memory_space<vmem>> -> memref<1x8192xf32, #tpu.memory_space<vmem>>
        %parallel_loop3A_99 = tpu.memref_squeeze %parallel_loop3A_98 : memref<1x8192xf32, #tpu.memory_space<vmem>> -> memref<8192xf32, #tpu.memory_space<vmem>>
        %parallel_loop3A_100 = tpu.vector_load_idx %parallel_loop3A_99[%parallel_loop3A_95] : memref<8192xf32, #tpu.memory_space<vmem>>[vector<16xi32>], vector<16xf32>,
        %parallel_loop3A_101 = arith.mulf %parallel_loop3A_100, %get3A_18 : vector<16xf32>
        %parallel_loop3A_102 = arith.addf %broadcast_in_dim3A_19, %parallel_loop3A_101 : vector<16xf32>
        %parallel_loop3A_103 = arith.divf %broadcast_in_dim3A_19, %parallel_loop3A_102 : vector<16xf32>
        %parallel_loop3A_104 = arith.constant 0 : i32
        %parallel_loop3A_105 = arith.addi %parallel_loop3A_104, %parallel_loop3A_93 : i32
        %parallel_loop3A_106 = arith.index_cast %parallel_loop3A_105 : i32 to index
        %parallel_loop3A_107 = tpu.vector_load %arg12[%parallel_loop3A_106] {strides = array<i32>} : memref<16384xf32, #tpu.memory_space<vmem>>, vector<16xf32>,
        tpu.vector_store %arg12[%parallel_loop3A_106], %parallel_loop3A_103 {strides = array<i32>} : memref<16384xf32, #tpu.memory_space<vmem>>, vector<16xf32>,
        %parallel_loop3A_108 = arith.constant 1 : i32
        %parallel_loop3A_109 = arith.constant 0 : i32
        %parallel_loop3A_110 = tpu.memref_slice %arg10[%parallel_loop3A_108, %parallel_loop3A_109] : memref<4x8192xf32, #tpu.memory_space<vmem>> -> memref<1x8192xf32, #tpu.memory_space<vmem>>
        %parallel_loop3A_111 = tpu.memref_squeeze %parallel_loop3A_110 : memref<1x8192xf32, #tpu.memory_space<vmem>> -> memref<8192xf32, #tpu.memory_space<vmem>>
        %parallel_loop3A_112 = tpu.vector_load_idx %parallel_loop3A_111[%parallel_loop3A_95] : memref<8192xf32, #tpu.memory_space<vmem>>[vector<16xi32>], vector<16xf32>,
        %parallel_loop3A_113 = arith.mulf %parallel_loop3A_112, %get3A_18 : vector<16xf32>
        %parallel_loop3A_114 = arith.addf %broadcast_in_dim3A_19, %parallel_loop3A_113 : vector<16xf32>
        %parallel_loop3A_115 = arith.divf %broadcast_in_dim3A_19, %parallel_loop3A_114 : vector<16xf32>
        %parallel_loop3A_116 = arith.constant 4096 : i32
        %parallel_loop3A_117 = arith.addi %parallel_loop3A_116, %parallel_loop3A_93 : i32
        %parallel_loop3A_118 = arith.index_cast %parallel_loop3A_117 : i32 to index
        %parallel_loop3A_119 = tpu.vector_load %arg12[%parallel_loop3A_118] {strides = array<i32>} : memref<16384xf32, #tpu.memory_space<vmem>>, vector<16xf32>,
        tpu.vector_store %arg12[%parallel_loop3A_118], %parallel_loop3A_115 {strides = array<i32>} : memref<16384xf32, #tpu.memory_space<vmem>>, vector<16xf32>,
        %parallel_loop3A_120 = arith.constant 2 : i32
        %parallel_loop3A_121 = arith.constant 0 : i32
        %parallel_loop3A_122 = tpu.memref_slice %arg10[%parallel_loop3A_120, %parallel_loop3A_121] : memref<4x8192xf32, #tpu.memory_space<vmem>> -> memref<1x8192xf32, #tpu.memory_space<vmem>>
        %parallel_loop3A_123 = tpu.memref_squeeze %parallel_loop3A_122 : memref<1x8192xf32, #tpu.memory_space<vmem>> -> memref<8192xf32, #tpu.memory_space<vmem>>
        %parallel_loop3A_124 = tpu.vector_load_idx %parallel_loop3A_123[%parallel_loop3A_95] : memref<8192xf32, #tpu.memory_space<vmem>>[vector<16xi32>], vector<16xf32>,
        %parallel_loop3A_125 = arith.mulf %parallel_loop3A_124, %get3A_18 : vector<16xf32>
        %parallel_loop3A_126 = arith.addf %broadcast_in_dim3A_19, %parallel_loop3A_125 : vector<16xf32>
        %parallel_loop3A_127 = arith.divf %broadcast_in_dim3A_19, %parallel_loop3A_126 : vector<16xf32>
        %parallel_loop3A_128 = arith.constant 8192 : i32
        %parallel_loop3A_129 = arith.addi %parallel_loop3A_128, %parallel_loop3A_93 : i32
        %parallel_loop3A_130 = arith.index_cast %parallel_loop3A_129 : i32 to index
        %parallel_loop3A_131 = tpu.vector_load %arg12[%parallel_loop3A_130] {strides = array<i32>} : memref<16384xf32, #tpu.memory_space<vmem>>, vector<16xf32>,
        tpu.vector_store %arg12[%parallel_loop3A_130], %parallel_loop3A_127 {strides = array<i32>} : memref<16384xf32, #tpu.memory_space<vmem>>, vector<16xf32>,
        %parallel_loop3A_132 = arith.constant 3 : i32
        %parallel_loop3A_133 = arith.constant 0 : i32
        %parallel_loop3A_134 = tpu.memref_slice %arg10[%parallel_loop3A_132, %parallel_loop3A_133] : memref<4x8192xf32, #tpu.memory_space<vmem>> -> memref<1x8192xf32, #tpu.memory_space<vmem>>
        %parallel_loop3A_135 = tpu.memref_squeeze %parallel_loop3A_134 : memref<1x8192xf32, #tpu.memory_space<vmem>> -> memref<8192xf32, #tpu.memory_space<vmem>>
        %parallel_loop3A_136 = tpu.vector_load_idx %parallel_loop3A_135[%parallel_loop3A_95] : memref<8192xf32, #tpu.memory_space<vmem>>[vector<16xi32>], vector<16xf32>,
        %parallel_loop3A_137 = arith.mulf %parallel_loop3A_136, %get3A_18 : vector<16xf32>
        %parallel_loop3A_138 = arith.addf %broadcast_in_dim3A_19, %parallel_loop3A_137 : vector<16xf32>
        %parallel_loop3A_139 = arith.divf %broadcast_in_dim3A_19, %parallel_loop3A_138 : vector<16xf32>
        %parallel_loop3A_140 = arith.constant 12288 : i32
        %parallel_loop3A_141 = arith.addi %parallel_loop3A_140, %parallel_loop3A_93 : i32
        %parallel_loop3A_142 = arith.index_cast %parallel_loop3A_141 : i32 to index
        %parallel_loop3A_143 = tpu.vector_load %arg12[%parallel_loop3A_142] {strides = array<i32>} : memref<16384xf32, #tpu.memory_space<vmem>>, vector<16xf32>,
        tpu.vector_store %arg12[%parallel_loop3A_142], %parallel_loop3A_139 {strides = array<i32>} : memref<16384xf32, #tpu.memory_space<vmem>>, vector<16xf32>,
      } {sc.loop_unroll_factor = 8 : i64, sc.parallel_access}
      %add3A_78 = arith.constant 2 : i32
      %add3A_79 = arith.addi %add3A_63, %add3A_78 : i32
      %lt3A_80 = arith.constant 32 : i32
      %lt3A_81 = arith.cmpi slt, %add3A_79, %lt3A_80 : i32
      %convert_element_type3A_82 = arith.extui %lt3A_81 : i1 to i32
      %cond3A_83 = arith.constant 0 : i32
      %cond3A_84 = arith.cmpi ne, %convert_element_type3A_82, %cond3A_83 : i32
      scf.if %cond3A_84 {
        %add3A_93 = arith.constant 2 : i32
        %add3A_94 = arith.addi %add3A_63, %add3A_93 : i32
        %dma_start3A_95 = arith.constant 0 : i32
        %dma_start3A_96 = tpu.memref_slice %arg8[%add3A_94, %dma_start3A_95] : memref<32x4xi32, #tpu.memory_space<vmem>> -> memref<1x4xi32, #tpu.memory_space<vmem>>
        %dma_start3A_97 = tpu.memref_squeeze %dma_start3A_96 : memref<1x4xi32, #tpu.memory_space<vmem>> -> memref<4xi32, #tpu.memory_space<vmem>>
        %dma_start3A_98 = arith.constant 0 : i32
        %dma_start3A_99 = arith.constant 0 : i32
        %dma_start3A_100 = tpu.memref_slice %arg4[%dma_start3A_98, %dma_start3A_99] : memref<8192x8192xf32, #tpu.memory_space<hbm>> -> memref<8192x8192xf32, #tpu.memory_space<hbm>>
        tpu.enqueue_indirect_dma source(%dma_start3A_100 : memref<8192x8192xf32, #tpu.memory_space<hbm>>) target(%arg10 : memref<4x8192xf32, #tpu.memory_space<vmem>>) offsets(%dma_start3A_97 : memref<4xi32, #tpu.memory_space<vmem>>) semaphore(%arg15 : memref<!tpu.dma_semaphore, #tpu.memory_space<semaphore_mem>>)
      } else {
      }
      %mul3A_85 = arith.constant 4 : i32
      %mul3A_86 = arith.muli %add3A_63, %mul3A_85 : i32
      %add3A_87 = arith.addi %mul3A_2, %mul3A_86 : i32
      %mul3A_88 = arith.constant 4096 : i32
      %mul3A_89 = arith.muli %add3A_87, %mul3A_88 : i32
      %multiple_of3A_90 = tpu.assume_multiple %mul3A_89, 16384 : i32
      %dma_start3A_91 = tpu.memref_slice %arg6[%multiple_of3A_90] : memref<16777216xf32, #tpu.memory_space<hbm>> -> memref<16384xf32, #tpu.memory_space<hbm>>
      %dma_start3A_92 = tpu.memref_slice %arg6[%multiple_of3A_90] : memref<16777216xf32, #tpu.memory_space<hbm>> -> memref<16384xf32, #tpu.memory_space<hbm>>
      tpu.enqueue_dma source(%arg12 : memref<16384xf32, #tpu.memory_space<vmem>>) target(%dma_start3A_92 : memref<16384xf32, #tpu.memory_space<hbm>>) target_semaphore(%arg17 : memref<!tpu.dma_semaphore, #tpu.memory_space<semaphore_mem>>)
    }
    %scan3A_24 = arith.constant 16 : i32
    %dma_wait3A = arith.constant 0 : i32
    %dma_wait3A_25 = tpu.memref_slice %arg6[%dma_wait3A] : memref<16777216xf32, #tpu.memory_space<hbm>> -> memref<16384xf32, #tpu.memory_space<hbm>>
    %dma_wait3A_26 = arith.constant 0 : i32
    %dma_wait3A_27 = tpu.memref_slice %arg6[%dma_wait3A_26] : memref<16777216xf32, #tpu.memory_space<hbm>> -> memref<16384xf32, #tpu.memory_space<hbm>>
    tpu.wait_dma2 semaphore(%arg16 : memref<!tpu.dma_semaphore, #tpu.memory_space<semaphore_mem>>) src(%arg11 : memref<16384xf32, #tpu.memory_space<vmem>>) dst(%dma_wait3A_27 : memref<16384xf32, #tpu.memory_space<hbm>>)
    %dma_wait3A_28 = arith.constant 0 : i32
    %dma_wait3A_29 = tpu.memref_slice %arg6[%dma_wait3A_28] : memref<16777216xf32, #tpu.memory_space<hbm>> -> memref<16384xf32, #tpu.memory_space<hbm>>
    %dma_wait3A_30 = arith.constant 0 : i32
    %dma_wait3A_31 = tpu.memref_slice %arg6[%dma_wait3A_30] : memref<16777216xf32, #tpu.memory_space<hbm>> -> memref<16384xf32, #tpu.memory_space<hbm>>
    tpu.wait_dma2 semaphore(%arg17 : memref<!tpu.dma_semaphore, #tpu.memory_space<semaphore_mem>>) src(%arg12 : memref<16384xf32, #tpu.memory_space<vmem>>) dst(%dma_wait3A_31 : memref<16384xf32, #tpu.memory_space<hbm>>)
    return
  }
}

</mosaic_0001>

<sc_bundles>
// kernel: kernel.3.cloned.1.call-start
scs
__scs_entry_jumppad:
0x0: {  	(pc) =	sbr.rel $0x88, $3  }
0x1: {  	(tag) =	ssettag $0x0;
	lr =	simm.s32 $0x1  }
0x2: {  	[smem:$0x3F9D] =	sst lr;
	_ =	strace $0xD0000000  }
0x3: {  	_ = 	snop  }
0x4: {  	_ = 	snop  }
0x5: {  	_ = 	snop  }
0x6: {  	_ = 	snop  }
0x7: {  	_ = 	snop  }
__scs_overlays_trampoline_lowered:
0x8: {  	[smem:$0x3FAC] =	sst s0  }
0x9: {  	[smem:$0x3FAD] =	sst s1  }
0xa: {  	[smem:$0x3FAE] =	sst s2  }
0xb: {  	[smem:$0x3FAF] =	sst s3  }
0xc: {  	[smem:$0x3FB0] =	sst s4  }
0xd: {  	[smem:$0x3FB1] =	sst s5  }
0xe: {  	[smem:$0x3FB2] =	sst s6  }
0xf: {  	[smem:$0x3FB3] =	sst s7  }
0x10: {  	[smem:$0x3FB4] =	sst s8  }
0x11: {  	[smem:$0x3FB5] =	sst s9;
	s0 =	simm.s32 @!p0 $0x0  }
0x12: {  	s1 =	sld [smem:$0x3F9B];
	s0 =	simm.s32 @p0 $0x1  }
0x13: {  	[smem:$0x3FB6] =	sst s0;
	s0 =	simm.s32 @!p1 $0x0  }
0x14: {  	s2 =	sld [smem:$0x3F9A];
	s0 =	simm.s32 @p1 $0x1  }
0x15: {  	[smem:$0x3FB7] =	sst s0;
	s0 =	simm.s32 @!p2 $0x0  }
0x16: {  	s3 =	sld [smem:$0x3FDB];
	s0 =	simm.s32 @p2 $0x1  }
0x17: {  	s4 =	simm.s32 $0x1BF5;
	[smem:$0x3FB9] =	sst s0  }
0x18: {  	s0 =	sld [smem:$0x3F9C];
	_ =	swait.ge [sflag:s4], $0x0  }
0x19: {  	s7 =	sld [smem:$0x3F9D]  }
0x1a: {  	s8 =	sadd.s32 $0xFFFFE003, lr  }
0x1b: {  	s9 =	sadd.s32 $0xFFFFFEF7, lr;
	s5 =	simm.s32 $0xFFFFFFFF;
	p2 =	slt.u32 s8, $0xFFFFF086  }
0x1c: {  	p1 =	slt.u32 s9, $0xF7A;
	s5 =	simm.s32 @!p2 $0x0  }
0x1d: {  	s5 =	simm.s32 @p1 $0x1;
	p0 =	seq.s32 s7, s2  }
0x1e: {  	s7 =	smul.u32 @!p0 $0xF7A, s2;
	p2 =	seq.s32 @!p0 s5, $0x0  }
0x1f: {  	s9 =	smul.u32 $0xF7A, s1;
	s8 =	simm.s32 @!p0 $0x1BF5;
	p2 =	por !p2, p0  }
0x20: {  	[sflag:s8] =	ssyncset.s32 @!p0 $0xFFFFF086;
	s6 =	sadd.s32 @!p0 s3, s7;
	s7 =	simm.s32 @!p0 $0x108  }
0x21: {  	s3 =	sadd.s32 s3, s9;
	s6 =	sadd.s32 @!p0 $0x88, s6;
	s7 =	simm.s32 @p2 $0x1082  }
0x22: {  	[simem:s7], [sflag:s8] =	dma.local @!p0 [hbm:s6], $0xF7A  }
0x23: {  	s9 =	sor.u32 $0xD0000000, s2;
	s6 =	simm.s32 $0x108;
	_ =	swait.ge @!p0 [sflag:s8], $0x0  }
0x24: {  	s3 =	sadd.s32 $0x88, s3;
	s6 =	simm.s32 @!p1 $0x1082;
	[sflag:s4] =	ssyncset.s32 $0xFFFFF086  }
0x25: {  	[simem:s6], [sflag:s4] =	dma.local [hbm:s3], $0xF7A  }
0x26: {  	[smem:$0x3F9D] =	sst s1;
	(tag) =	ssettag s2;
	_ =	strace s9  }
0x27: {  	s1 =	sld [smem:$0x3FAD]  }
0x28: {  	s2 =	sld [smem:$0x3FAE]  }
0x29: {  	s4 =	sld [smem:$0x3FB0]  }
0x2a: {  	p0 =	seq.s32 s5, $0x0;
	s5 =	sld [smem:$0x3FB1]  }
0x2b: {  	s6 =	sld [smem:$0x3FB2]  }
0x2c: {  	s7 =	sld [smem:$0x3FB3]  }
0x2d: {  	s3 =	simm.s32 $0x108;
	s8 =	sld [smem:$0x3FB4]  }
0x2e: {  	s3 =	simm.s32 @!p0 $0x1082;
	s9 =	sld [smem:$0x3FB5]  }
0x2f: {  	lr =	sadd.s32 s0, s3;
	s0 =	sld [smem:$0x3FAC]  }
0x30: {  	s3 =	sld [smem:$0x3FAF]  }
0x31: {  	[smem:$0x3FB8] =	sst s10  }
0x32: {  	s10 =	sld [smem:$0x3FB6];
	_ =	sdelay $0x3  }
0x33: {  	p0 =	seq.s32 s10, $0x1;
	s10 =	sld [smem:$0x3FB8];
	_ =	sdelay $0x3  }
0x34: {  	[smem:$0x3FB8] =	sst s10  }
0x35: {  	s10 =	sld [smem:$0x3FB7];
	_ =	sdelay $0x3  }
0x36: {  	p1 =	seq.s32 s10, $0x1;
	s10 =	sld [smem:$0x3FB8];
	_ =	sdelay $0x3  }
0x37: {  	[smem:$0x3FB8] =	sst s10  }
0x38: {  	s10 =	sld [smem:$0x3FB9]  }
0x39: {  	_ = 	snop;
	(pc) =	sbr.ind lr, $3  }
0x3a: {  	_ = 	snop  }
0x3b: {  	_ = 	snop  }
0x3c: {  	p2 =	seq.s32 s10, $0x1;
	s10 =	sld [smem:$0x3FB8]  }
0x3d: {  	_ =	shalt  }
0x3e: {  	_ =	shalt  }
0x3f: {  	_ =	shalt  }
0x40: {  	_ =	shalt  }
0x41: {  	_ =	shalt  }
0x42: {  	_ =	shalt  }
0x43: {  	_ =	shalt  }
0x44: {  	_ =	shalt  }
0x45: {  	_ =	shalt  }
0x46: {  	_ =	shalt  }
0x47: {  	_ =	shalt  }
0x48: {  	_ =	shalt  }
0x49: {  	_ =	shalt  }
0x4a: {  	_ =	shalt  }
0x4b: {  	_ =	shalt  }
0x4c: {  	_ =	shalt  }
0x4d: {  	_ =	shalt  }
0x4e: {  	_ =	shalt  }
0x4f: {  	_ =	shalt  }
0x50: {  	_ =	shalt  }
0x51: {  	_ =	shalt  }
0x52: {  	_ =	shalt  }
0x53: {  	_ =	shalt  }
0x54: {  	_ =	shalt  }
0x55: {  	_ =	shalt  }
0x56: {  	_ =	shalt  }
0x57: {  	_ =	shalt  }
0x58: {  	_ =	shalt  }
0x59: {  	_ =	shalt  }
0x5a: {  	_ =	shalt  }
0x5b: {  	_ =	shalt  }
0x5c: {  	_ =	shalt  }
0x5d: {  	_ =	shalt  }
0x5e: {  	_ =	shalt  }
0x5f: {  	_ =	shalt  }
0x60: {  	_ =	shalt  }
0x61: {  	_ =	shalt  }
0x62: {  	_ =	shalt  }
0x63: {  	_ =	shalt  }
0x64: {  	_ =	shalt  }
0x65: {  	_ =	shalt  }
0x66: {  	_ =	shalt  }
0x67: {  	_ =	shalt  }
0x68: {  	_ =	shalt  }
0x69: {  	_ =	shalt  }
0x6a: {  	_ =	shalt  }
0x6b: {  	_ =	shalt  }
0x6c: {  	_ =	shalt  }
0x6d: {  	_ =	shalt  }
0x6e: {  	_ =	shalt  }
0x6f: {  	_ =	shalt  }
0x70: {  	_ =	shalt  }
0x71: {  	_ =	shalt  }
0x72: {  	_ =	shalt  }
0x73: {  	_ =	shalt  }
0x74: {  	_ =	shalt  }
0x75: {  	_ =	shalt  }
0x76: {  	_ =	shalt  }
0x77: {  	_ =	shalt  }
0x78: {  	_ =	shalt  }
0x79: {  	_ =	shalt  }
0x7a: {  	_ =	shalt  }
0x7b: {  	_ =	shalt  }
0x7c: {  	_ =	shalt  }
0x7d: {  	_ =	shalt  }
0x7e: {  	_ =	shalt  }
0x7f: {  	_ =	shalt  }
0x80: {  	_ =	shalt  }
0x81: {  	_ =	shalt  }
0x82: {  	_ =	shalt  }
0x83: {  	_ =	shalt  }
0x84: {  	_ =	shalt  }
0x85: {  	_ =	shalt  }
0x86: {  	_ =	shalt  }
0x87: {  	_ =	shalt  }
.Lfunc_end0:
.L_simem_size_0:
called_computation.1_lowered:
.L_overlay_start_0:
0x88: {  	s2 =	sld [smem:$0x3FD9]  }
0x89: {  	s3 =	sld [smem:$0x3FFE];
	_ =	sdelay $0x1  }
0x8a: {  	s1 =	srdreg.scid  }
0x8b: {  	s0 =	sand.u32 $0x1, s1  }
0x8c: {  	s17 =	sshll.u32 s0, $0xA;
	s2 =	sadd.s32 s3, s2  }
0x8d: {  	s2 =	sadd.s32 s2, s17  }
0x8e: {  	[smem:$0x3FC4] =	sst s2  }
0x8f: {  	_ = 	snop  }
0x90: {  	s2 =	sld [smem:$0x3FC8]  }
0x91: {  	s18 =	sld [smem:$0x3FD0];
	(tm) =	ssettm $0x1  }
0x92: {  	s4 =	sld [smem:$0x3FFB];
	_ =	sdelay $0x3  }
0x93: {  	_ =	strace s4  }
0x94: {  	s4 =	sld [smem:$0x3FFC];
	_ =	sdelay $0x3  }
0x95: {  	_ =	strace s4  }
0x96: {  	s4 =	sld [smem:$0x3FFD];
	_ =	sdelay $0x3  }
0x97: {  	_ =	strace s4  }
0x98: {  	_ =	strace $0x8FFFFFFF  }
0x99: {  	s19 =	sld [smem:$0x3FDB];
	_ =	sdelay $0x1  }
0x9a: {  	s5 =	simm.s32 $_scs_section_size  }
0x9b: {  	s6 =	simm.s32 $_size__tile_overlayer_lowered;
	s7 =	simm.s32 $_tile_overlayer_lowered  }
0x9c: {  	s22 =	simm.s32 $0x1BFF;
	s21 =	sshll.u32 s7, $0x1;
	s4 =	sadd.s32 s5, s19  }
0x9d: {  	s8 =	simm.s32 $0x0;
	s20 =	sshll.u32 s6, $0x1;
	s6 =	sadd.s32 s21, s4  }
0x9e: {  	[timem:s8], [sflag:s22] =	dma.local [hbm:s6], s20  }
0x9f: {  	_ =	swait.ge [sflag:s22], s20  }
0xa0: {  	s5 =	ssub.s32 $0x0, s20;
	[sflag:s22] =	ssyncset.done $0x0  }
0xa1: {  	[sflag:s22] =	ssyncadd.s32 s5;
	_ =	sdelay $0x1  }
0xa2: {  	s23 =	simm.s32 $0x1B8B  }
0xa3: {  	_ =	swait.ge [sflag:s23], $0x1  }
0xa4: {  	[sflag:s23] =	ssyncset.done $0x0  }
0xa5: {  	s25 =	simm.s32 $0x1B8E;
	s24 =	sld [smem:$0x3FFE];
	[sflag:s23] =	ssyncadd.s32 $0xFFFFFFFF  }
0xa6: {  	s26 =	simm.s32 $execute0_lowered;
	[smem:$0x3FD2] =	sst s25  }
0xa7: {  	s6 =	sshll.u32 s26, $0x1;
	_ =	strace $0x80000049;
	[dreg:$0x1] =	wrdreg $0xFFFFFFFF  }
0xa8: {  	s28 =	simm.s32 $_size_execute0_lowered;
	s4 =	sadd.s32 s4, s6;
	[dreg:$0x0] =	wrdreg $0x0  }
0xa9: {  	s6 =	sshll.u32 s28, $0x1;
	[dreg:$0x2] =	wrdreg s4  }
0xaa: {  	[dreg:$0x3] =	wrdreg s6  }
0xab: {  	[dreg:$0x4] =	wrdreg $0xC0  }
0xac: {  	_ =	task [dreg:s8], $0x5FFFF  }
0xad: {  	[dreg:$0x1] =	wrdreg $0xFFFFFFFF  }
0xae: {  	[dreg:$0x0] =	wrdreg $0x60  }
0xaf: {  	[dreg:$0x2] =	wrdreg s18  }
0xb0: {  	[dreg:$0x3] =	wrdreg s2  }
0xb1: {  	[dreg:$0x4] =	wrdreg s24  }
0xb2: {  	[dreg:$0x5] =	wrdreg $0x9  }
0xb3: {  	_ =	task.clear_ibuf [dreg:s8], $0x6FFFF;
	_ =	strace $0x90000049  }
0xb4: {  	s29 =	simm.s32 $0x9;
	_ =	strace $0x8000004B  }
0xb5: {  	_ =	swait.ge [sflag:s29], $0x1  }
0xb6: {  	[sflag:s29] =	ssyncadd.s32 $0xFFFFFFFF  }
0xb7: {  	_ =	strace $0x9000004B  }
0xb8: {  	_ =	sfence  }
0xb9: {  	s30 =	sld [smem:$0x0];
	_ =	sdelay $0x2  }
0xba: {  	s31 =	sshll.u32 s1, $0xD;
	s1 =	sshrl.u32 s1, $0x2  }
0xbb: {  	s3 =	sand.u32 $0x4000, s31;
	s1 =	sadd.s32 s1, s30  }
0xbc: {  	s0 =	sor.u32 s3, s0;
	s1 =	sshll.u32 s1, $0x11  }
0xbd: {  	s0 =	sor.u32 s1, s0  }
0xbe: {  	s0 =	sadd.s32 $0x8F2B, s0  }
0xbf: {  	[sflag:s0] =	ssyncadd.remote.s32 $0x1  }
0xc0: {  	_ =	sfence.sel $0xFFFF  }
0xc1: {  	[dreg:$0x0] =	wrdreg $0xFFFFFFFF;
	(pc) =	sbr.abs _section_cstart, $3  }
0xc2: {  	[dreg:$0x1] =	wrdreg $0xFFFFFFFF  }
0xc3: {  	_ =	task.clear_ibuf [dreg:s8], $0x2FFFF;
	_ =	strace $0x9FFFFFFF  }
0xc4: {  	(tm) =	ssettm $0x7FFFFFFF  }
0xc5: {  	_ =	shalt  }
tec
execute0_lowered:
.L_overlay_start_1:
0x0: {  	(tag) =	ssettag $0x1  }
0x1: {  	s0 =	rddreg [dreg:$0x0]  }
0x2: {  	s1 =	rddreg [dreg:$0x2]  }
0x3: {  	s3 =	simm.s32 $0x0;
	s2 =	srdreg.scid;
	s5 =	stileid.u32  }
0x4: {  	s9 =	simm.s32 $0x1000;
	s10 =	simm.s32 $0x5;
	s11 =	simm.s32 $0x4  }
0x5: {  	s12 =	simm.s32 $0x1100;
	s14 =	simm.s32 $0x9100;
	s16 =	simm.s32 $0x1  }
0x6: {  	s17 =	simm.s32 $0x3100;
	s18 =	simm.s32 $0x5100;
	s19 =	simm.s32 $0x7100  }
0x7: {  	s20 =	simm.s32 $0x11100;
	s21 =	simm.s32 $0x2;
	s22 =	simm.s32 $0xB100  }
0x8: {  	s23 =	simm.s32 $0xD100;
	s24 =	simm.s32 $0xF100;
	s25 =	simm.s32 $0x15100  }
0x9: {  	s26 =	simm.s32 $0x3;
	s28 =	simm.s32 $0x0;
	[smem:$0x7FF] =	sst s3  }
0xa: {  	s4 =	sadd.s32 $0xA00, s1;
	s2 =	sand.u32 $0x1, s2;
	s6 =	sshll.u32 s5, $0x1  }
0xb: {  	s5 =	sadd.s32 $0x800C00, s1;
	s6 =	sor.u32 s2, s6;
	s2 =	ssub.s32 $0x2, s2  }
0xc: {  	_ =	strace $0x8000004A;
	s7 =	sshll.u32 s6, $0x10;
	s8 =	sshrl.u32 s2, $0x1  }
0xd: {  	s6 =	sshll.u32 s6, $0x5;
	s1 =	sadd.s32 s7, s1;
	s2 =	ssub.s32 s2, s8  }
0xe: {  	s6 =	sadd.s32 s0, s6;
	s7 =	sadd.s32 $0x800E00, s1;
	s8 =	smax.u32 s2, $0x1  }
.LBB2_1:
0xf: {  	[tilespmem:s9], [sflag:$0x5] =	stream.linear.gather [hbm4b:s6+s3], $0x100, $0x38;
	[tilespmem:$0x19110] =	vst v63  }
0x10: {  	_ =	swait.ge [sflag:s10], $0x100  }
0x11: {  	[sflag:s10] =	ssyncset.done $0x0  }
0x12: {  	[sflag:s10] =	ssyncadd.s32 $0xFFFFFF00  }
0x13: {  	[tilespmem:s12], [sflag:$0x1] =	stream.indirect.gather [hbm4b:s4+s11], $0x2000, s9, s11, $0xb8;
	[tilespmem:$0x19110] =	vst v63  }
0x14: {  	s0 =	simm.s32 $0x1008  }
0x15: {  	[tilespmem:s14], [sflag:$0x2] =	stream.indirect.gather [hbm4b:s4+s11], $0x2000, s0, s11, $0xb8;
	[tilespmem:$0x19110] =	vst v63  }
0x16: {  	s30 =	rddreg [dreg:$0x1]  }
0x17: {  	[tilespmem:s3], [sflag:$0x5] =	stream.linear.gather [hbm4b:s30+s3], $0x1000, $0x38;
	[tilespmem:$0x19110] =	vst v63  }
0x18: {  	_ =	swait.ge [sflag:s10], $0x1000  }
0x19: {  	[sflag:s10] =	ssyncset.done $0x0  }
0x1a: {  	s31 =	simm.s32 $0x19100;
	[sflag:s10] =	ssyncadd.s32 $0xFFFFF000  }
0x1b: {  	[tilespmem:s31], [sflag:$0x5] =	stream.linear.gather [hbm4b:s5+s3], $0x10, $0x38;
	[tilespmem:$0x19110] =	vst v63  }
0x1c: {  	_ =	swait.ge [sflag:s10], $0x10  }
0x1d: {  	[sflag:s10] =	ssyncset.done $0x0  }
0x1e: {  	[sflag:s10] =	ssyncadd.s32 $0xFFFFFFF0  }
0x1f: {  	v0 =	vld [tilespmem:$0x19100];
	_ =	sdelay $0x3  }
0x20: {  	s29 =	simm.s32 $0x0  }
.LBB2_2:
0x21: {  	_ =	swait.ge [sflag:s16], $0x8000  }
0x22: {  	p0 =	seq.s32 s29, $0x0;
	[sflag:s16] =	ssyncset.done $0x0  }
0x23: {  	s0 =	simm.s32 @!p0 $0x3;
	[sflag:s16] =	ssyncadd.s32 $0xFFFF8000  }
0x24: {  	_ =	swait.ge @!p0 [sflag:s0], $0x4000  }
0x25: {  	[sflag:s0] =	ssyncset.done @!p0 $0x0  }
0x26: {  	s13 =	simm.s32 $0x40;
	[sflag:s0] =	ssyncadd.s32 @!p0 $0xFFFFC000  }
0x27: {  	v8 =	vld [tilespmem:s13+$0x30]  }
0x28: {  	v6 =	vld [tilespmem:s13+$0xFFFFFFD0]  }
0x29: {  	v19 =	vld [tilespmem:s13+$0xFFFFFFE0]  }
0x2a: {  	v18 =	vld [tilespmem:s13+$0xFFFFFFF0]  }
0x2b: {  	v17 =	vld [tilespmem:s13+$0x0]  }
0x2c: {  	v15 =	vld [tilespmem:s13+$0x10]  }
0x2d: {  	v7 =	vld [tilespmem:s13+$0xFFFFFFC0]  }
0x2e: {  	v14 =	vld [tilespmem:s13+$0x20]  }
0x2f: {  	v1 =	vld.idx.msk [tilespmem:v8+s12+$0x0], $0xffff  }
0x30: {  	v2 =	vld.idx.msk [tilespmem:v6+s12+$0x0], $0xffff  }
0x31: {  	v3 =	vld.idx.msk [tilespmem:v19+s12+$0x0], $0xffff  }
0x32: {  	v4 =	vld.idx.msk [tilespmem:v18+s12+$0x0], $0xffff  }
0x33: {  	v5 =	vld.idx.msk [tilespmem:v17+s12+$0x0], $0xffff  }
0x34: {  	v9 =	vld.idx.msk [tilespmem:v15+s12+$0x0], $0xffff;
	v1 =	vmul.f32 v1, v0  }
0x35: {  	v10 =	vld.idx.msk [tilespmem:v7+s12+$0x0], $0xffff;
	v2 =	vmul.f32 v2, v0  }
0x36: {  	v11 =	vld.idx.msk [tilespmem:v14+s12+$0x0], $0xffff;
	v3 =	vmul.f32 v3, v0;
	v1 =	vadd.f32 $1.000000000e+00, v1  }
0x37: {  	v4 =	vmul.f32 v4, v0;
	v2 =	vadd.f32 $1.000000000e+00, v2  }
0x38: {  	(erf) = vrcp.f32 v1;
	v1 =	vadd.f32 $1.000000000e+00, v3;
	v3 =	vmul.f32 v5, v0  }
0x39: {  	(erf) = vrcp.f32 v2;
	v2 =	vadd.f32 $1.000000000e+00, v4;
	v4 =	vmul.f32 v9, v0  }
0x3a: {  	v5 =	vmul.f32 v10, v0;
	v3 =	vadd.f32 $1.000000000e+00, v3;
	(erf) = vrcp.f32 v1  }
0x3b: {  	v1 =	vadd.f32 $1.000000000e+00, v4;
	(erf) = vrcp.f32 v2;
	v2 =	vmul.f32 v11, v0  }
0x3c: {  	v4 =	vadd.f32 $1.000000000e+00, v5;
	(erf) = vrcp.f32 v3  }
0x3d: {  	(erf) = vrcp.f32 v1;
	v1 =	vadd.f32 $1.000000000e+00, v2  }
0x3e: {  	(erf) = vrcp.f32 v4;
	_ =	sdelay $0x2  }
0x3f: {  	s30 =	simm.s32 $0x13100;
	(erf) = vrcp.f32 v1;
	v1 =	vpop (erf)  }
0x40: {  	[tilespmem:s30+$0xFFFFE070] =	vst v1;
	v1 =	vpop (erf)  }
0x41: {  	v2 =	vld.idx.msk [tilespmem:v8+s17+$0x0], $0xffff;
	[tilespmem:s30+$0xFFFFE010] =	vst v1;
	v1 =	vpop (erf)  }
0x42: {  	v3 =	vld.idx.msk [tilespmem:v6+s17+$0x0], $0xffff;
	[tilespmem:s30+$0xFFFFE020] =	vst v1;
	v1 =	vpop (erf)  }
0x43: {  	v4 =	vld.idx.msk [tilespmem:v19+s17+$0x0], $0xffff;
	[tilespmem:s30+$0xFFFFE030] =	vst v1;
	v1 =	vpop (erf)  }
0x44: {  	v5 =	vld.idx.msk [tilespmem:v18+s17+$0x0], $0xffff;
	[tilespmem:s30+$0xFFFFE040] =	vst v1;
	v1 =	vpop (erf)  }
0x45: {  	v9 =	vld.idx.msk [tilespmem:v17+s17+$0x0], $0xffff;
	[tilespmem:s30+$0xFFFFE050] =	vst v1;
	v1 =	vpop (erf)  }
0x46: {  	v2 =	vmul.f32 v2, v0;
	[tilespmem:s30+$0xFFFFE000] =	vst v1;
	v1 =	vld.idx.msk [tilespmem:v15+s17+$0x0], $0xffff  }
0x47: {  	v11 =	vld.idx.msk [tilespmem:v7+s17+$0x0], $0xffff;
	v3 =	vmul.f32 v3, v0  }
0x48: {  	v2 =	vadd.f32 $1.000000000e+00, v2;
	v4 =	vmul.f32 v4, v0  }
0x49: {  	s15 =	simm.s32 $0xC0;
	v3 =	vadd.f32 $1.000000000e+00, v3;
	v5 =	vmul.f32 v5, v0  }
0x4a: {  	v21 =	vld [tilespmem:s15+$0x30];
	(erf) = vrcp.f32 v2;
	v2 =	vadd.f32 $1.000000000e+00, v4;
	v4 =	vmul.f32 v9, v0  }
0x4b: {  	v16 =	vld [tilespmem:s15+$0xFFFFFFD0];
	(erf) = vrcp.f32 v3;
	v5 =	vadd.f32 $1.000000000e+00, v5;
	v1 =	vmul.f32 v1, v0  }
0x4c: {  	v20 =	vld [tilespmem:s15+$0xFFFFFFC0];
	v10 =	vpop (erf);
	v9 =	vmul.f32 v11, v0;
	v11 =	vadd.f32 $1.000000000e+00, v4;
	(erf) = vrcp.f32 v2  }
0x4d: {  	[tilespmem:s30+$0xFFFFE060] =	vst v10;
	v3 =	vld [tilespmem:s15+$0xFFFFFFE0];
	v12 =	vadd.f32 $1.000000000e+00, v1;
	(erf) = vrcp.f32 v5  }
0x4e: {  	v10 =	vld.idx.msk [tilespmem:v14+s17+$0x0], $0xffff;
	v9 =	vadd.f32 $1.000000000e+00, v9;
	(erf) = vrcp.f32 v11  }
0x4f: {  	v4 =	vld [tilespmem:s15+$0xFFFFFFF0];
	(erf) = vrcp.f32 v12  }
0x50: {  	v1 =	vld [tilespmem:s15+$0x0];
	(erf) = vrcp.f32 v9  }
0x51: {  	v2 =	vld [tilespmem:s15+$0x10]  }
0x52: {  	v5 =	vld [tilespmem:s15+$0x20]  }
0x53: {  	v9 =	vld.idx.msk [tilespmem:v21+s12+$0x0], $0xffff;
	v11 =	vpop (erf)  }
0x54: {  	v12 =	vld.idx.msk [tilespmem:v16+s12+$0x0], $0xffff;
	[tilespmem:s30+$0xFFFFF070] =	vst v11;
	v11 =	vpop (erf)  }
0x55: {  	v22 =	vld.idx.msk [tilespmem:v3+s12+$0x0], $0xffff;
	v23 =	vpop (erf)  }
0x56: {  	v10 =	vmul.f32 v10, v0;
	v13 =	vld.idx.msk [tilespmem:v8+s18+$0x0], $0xffff;
	v25 =	vpop (erf)  }
0x57: {  	v24 =	vld.idx.msk [tilespmem:v4+s12+$0x0], $0xffff;
	v27 =	vpop (erf)  }
0x58: {  	v10 =	vadd.f32 $1.000000000e+00, v10;
	v26 =	vld.idx.msk [tilespmem:v1+s12+$0x0], $0xffff;
	v9 =	vmul.f32 v9, v0;
	v29 =	vpop (erf)  }
0x59: {  	v28 =	vld.idx.msk [tilespmem:v2+s12+$0x0], $0xffff;
	v31 =	vpop (erf)  }
0x5a: {  	v30 =	vld.idx.msk [tilespmem:v20+s12+$0x0], $0xffff;
	(erf) = vrcp.f32 v10;
	v12 =	vmul.f32 v12, v0;
	v9 =	vadd.f32 $1.000000000e+00, v9;
	[tilespmem:s30+$0xFFFFF000] =	vst v31  }
0x5b: {  	[tilespmem:s30+$0xFFFFF010] =	vst v11;
	v22 =	vmul.f32 v22, v0;
	v13 =	vmul.f32 v13, v0;
	v11 =	vld.idx.msk [tilespmem:v7+s18+$0x0], $0xffff  }
0x5c: {  	v10 =	vld.idx.msk [tilespmem:v5+s12+$0x0], $0xffff;
	v12 =	vadd.f32 $1.000000000e+00, v12;
	v24 =	vmul.f32 v24, v0;
	(erf) = vrcp.f32 v9  }
0x5d: {  	v22 =	vadd.f32 $1.000000000e+00, v22;
	v26 =	vmul.f32 v26, v0;
	v9 =	vadd.f32 $1.000000000e+00, v13;
	v13 =	vld.idx.msk [tilespmem:v6+s18+$0x0], $0xffff  }
0x5e: {  	(erf) = vrcp.f32 v12;
	v12 =	vadd.f32 $1.000000000e+00, v24;
	v24 =	vmul.f32 v28, v0  }
0x5f: {  	(erf) = vrcp.f32 v9;
	v9 =	vmul.f32 v30, v0  }
0x60: {  	v26 =	vadd.f32 $1.000000000e+00, v26;
	(erf) = vrcp.f32 v22;
	v11 =	vmul.f32 v11, v0  }
0x61: {  	[tilespmem:s30+$0xFFFFF020] =	vst v23;
	v10 =	vmul.f32 v10, v0;
	v22 =	vadd.f32 $1.000000000e+00, v24;
	(erf) = vrcp.f32 v12  }
0x62: {  	[tilespmem:s30+$0xFFFFF040] =	vst v27;
	v9 =	vadd.f32 $1.000000000e+00, v9;
	v12 =	vld.idx.msk [tilespmem:v19+s18+$0x0], $0xffff;
	(erf) = vrcp.f32 v26;
	v13 =	vmul.f32 v13, v0  }
0x63: {  	[tilespmem:s30+$0xFFFFF030] =	vst v25;
	v23 =	vld.idx.msk [tilespmem:v17+s18+$0x0], $0xffff;
	v10 =	vadd.f32 $1.000000000e+00, v10;
	(erf) = vrcp.f32 v22  }
0x64: {  	[tilespmem:s30+$0xFFFFF050] =	vst v29;
	v22 =	vld.idx.msk [tilespmem:v18+s18+$0x0], $0xffff;
	(erf) = vrcp.f32 v9;
	v9 =	vadd.f32 $1.000000000e+00, v11;
	v11 =	vpop (erf)  }
0x65: {  	(erf) = vrcp.f32 v10;
	v10 =	vadd.f32 $1.000000000e+00, v13;
	[tilespmem:s30+$0xFFFFF060] =	vst v11;
	v11 =	vld.idx.msk [tilespmem:v15+s18+$0x0], $0xffff  }
0x66: {  	s0 =	simm.s32 $0x13180;
	v13 =	vpop (erf);
	(erf) = vrcp.f32 v9  }
0x67: {  	v12 =	vmul.f32 v12, v0;
	v9 =	vld.idx.msk [tilespmem:v14+s18+$0x0], $0xffff;
	[tilespmem:s0+$0xFFFFE070] =	vst v13;
	v13 =	vpop (erf);
	(erf) = vrcp.f32 v10  }
0x68: {  	[tilespmem:s0+$0xFFFFE010] =	vst v13;
	v10 =	vld.idx.msk [tilespmem:v21+s17+$0x0], $0xffff;
	v13 =	vpop (erf)  }
0x69: {  	v23 =	vmul.f32 v23, v0;
	v12 =	vadd.f32 $1.000000000e+00, v12;
	v24 =	vld.idx.msk [tilespmem:v16+s17+$0x0], $0xffff;
	v25 =	vpop (erf);
	[tilespmem:s30+$0x70] =	vst v13;
	v13 =	vmul.f32 v22, v0  }
0x6a: {  	[tilespmem:s0+$0xFFFFE020] =	vst v25;
	v22 =	vpop (erf);
	v8 =	vld.idx.msk [tilespmem:v8+s19+$0x0], $0xffff;
	v11 =	vmul.f32 v11, v0  }
0x6b: {  	v23 =	vadd.f32 $1.000000000e+00, v23;
	v25 =	vld.idx.msk [tilespmem:v3+s17+$0x0], $0xffff;
	[tilespmem:s0+$0xFFFFE030] =	vst v22;
	v22 =	vpop (erf);
	v13 =	vadd.f32 $1.000000000e+00, v13  }
0x6c: {  	(erf) = vrcp.f32 v12;
	v26 =	vld.idx.msk [tilespmem:v4+s17+$0x0], $0xffff;
	[tilespmem:s0+$0xFFFFE040] =	vst v22;
	v22 =	vpop (erf);
	v9 =	vmul.f32 v9, v0;
	v11 =	vadd.f32 $1.000000000e+00, v11  }
0x6d: {  	v27 =	vld.idx.msk [tilespmem:v1+s17+$0x0], $0xffff;
	[tilespmem:s0+$0xFFFFE050] =	vst v22;
	v12 =	vpop (erf);
	(erf) = vrcp.f32 v13  }
0x6e: {  	v10 =	vmul.f32 v10, v0;
	[tilespmem:s0+$0xFFFFE000] =	vst v12;
	v13 =	vld.idx.msk [tilespmem:v2+s17+$0x0], $0xffff;
	v12 =	vpop (erf);
	v9 =	vadd.f32 $1.000000000e+00, v9;
	(erf) = vrcp.f32 v23  }
0x6f: {  	v23 =	vmul.f32 v24, v0;
	v22 =	vld.idx.msk [tilespmem:v20+s17+$0x0], $0xffff;
	[tilespmem:s0+$0xFFFFE060] =	vst v12;
	v12 =	vpop (erf);
	(erf) = vrcp.f32 v11  }
0x70: {  	v10 =	vadd.f32 $1.000000000e+00, v10;
	v8 =	vmul.f32 v8, v0;
	v24 =	vld.idx.msk [tilespmem:v5+s17+$0x0], $0xffff;
	[tilespmem:s30+$0x0] =	vst v12;
	(erf) = vrcp.f32 v9;
	v11 =	vpop (erf)  }
0x71: {  	v9 =	vadd.f32 $1.000000000e+00, v23;
	v23 =	vmul.f32 v25, v0;
	v25 =	vld.idx.msk [tilespmem:v7+s19+$0x0], $0xffff;
	v7 =	vmul.f32 v26, v0;
	[tilespmem:s30+$0x10] =	vst v11  }
0x72: {  	s1 =	simm.s32 $0x140;
	(erf) = vrcp.f32 v10;
	v10 =	vmul.f32 v27, v0;
	v26 =	vld.idx.msk [tilespmem:v6+s19+$0x0], $0xffff;
	v6 =	vadd.f32 $1.000000000e+00, v8  }
0x73: {  	v12 =	vld [tilespmem:s1+$0x30];
	(erf) = vrcp.f32 v9;
	v8 =	vadd.f32 $1.000000000e+00, v23;
	v13 =	vmul.f32 v13, v0  }
0x74: {  	v11 =	vld [tilespmem:s1+$0xFFFFFFD0];
	v7 =	vadd.f32 $1.000000000e+00, v7;
	(erf) = vrcp.f32 v6;
	v6 =	vmul.f32 v22, v0  }
0x75: {  	v9 =	vld [tilespmem:s1+$0xFFFFFFE0];
	v10 =	vadd.f32 $1.000000000e+00, v10;
	(erf) = vrcp.f32 v8  }
0x76: {  	v22 =	vpop (erf);
	v13 =	vadd.f32 $1.000000000e+00, v13;
	v8 =	vld [tilespmem:s1+$0xFFFFFFF0];
	(erf) = vrcp.f32 v7;
	v27 =	vadd.f32 $1.000000000e+00, v6  }
0x77: {  	v23 =	vpop (erf);
	v7 =	vld [tilespmem:s1+$0x0];
	(erf) = vrcp.f32 v10  }
0x78: {  	v46 =	vpop (erf);
	v6 =	vld [tilespmem:s1+$0x20];
	(erf) = vrcp.f32 v13  }
0x79: {  	v10 =	vld [tilespmem:s1+$0x10];
	v47 =	vpop (erf);
	(erf) = vrcp.f32 v27  }
0x7a: {  	v13 =	vld [tilespmem:s1+$0xFFFFFFC0];
	v27 =	vpop (erf)  }
0x7b: {  	v24 =	vmul.f32 v24, v0;
	v48 =	vld.idx.msk [tilespmem:v12+s12+$0x0], $0xffff;
	v49 =	vpop (erf)  }
0x7c: {  	v32 =	vld.idx.msk [tilespmem:v11+s12+$0x0], $0xffff;
	[tilespmem:s0+$0xFFFFF070] =	vst v49;
	v50 =	vpop (erf)  }
0x7d: {  	v24 =	vadd.f32 $1.000000000e+00, v24;
	v33 =	vld.idx.msk [tilespmem:v21+s18+$0x0], $0xffff;
	v34 =	vpop (erf)  }
0x7e: {  	v25 =	vmul.f32 v25, v0;
	v35 =	vld.idx.msk [tilespmem:v9+s12+$0x0], $0xffff;
	v36 =	vpop (erf)  }
0x7f: {  	[tilespmem:s30+$0x20] =	vst v22;
	v22 =	vmul.f32 v26, v0;
	(erf) = vrcp.f32 v24;
	v24 =	vld.idx.msk [tilespmem:v8+s12+$0x0], $0xffff;
	v37 =	vpop (erf)  }
0x80: {  	[tilespmem:s30+$0x30] =	vst v23;
	v23 =	vadd.f32 $1.000000000e+00, v25;
	v30 =	vmul.f32 v48, v0;
	v26 =	vld.idx.msk [tilespmem:v7+s12+$0x0], $0xffff;
	v38 =	vpop (erf)  }
0x81: {  	v22 =	vadd.f32 $1.000000000e+00, v22;
	v32 =	vmul.f32 v32, v0;
	v25 =	vld.idx.msk [tilespmem:v10+s12+$0x0], $0xffff;
	v39 =	vpop (erf)  }
0x82: {  	v30 =	vadd.f32 $1.000000000e+00, v30;
	v51 =	vld.idx.msk [tilespmem:v13+s12+$0x0], $0xffff;
	(erf) = vrcp.f32 v23;
	v40 =	vpop (erf);
	v33 =	vmul.f32 v33, v0  }
0x83: {  	v52 =	vmul.f32 v35, v0;
	v23 =	vld.idx.msk [tilespmem:v6+s12+$0x0], $0xffff;
	(erf) = vrcp.f32 v22;
	v22 =	vadd.f32 $1.000000000e+00, v32;
	[tilespmem:s0+$0xFFFFF000] =	vst v40  }
0x84: {  	[tilespmem:s0+$0xFFFFF020] =	vst v36;
	(erf) = vrcp.f32 v30;
	v24 =	vmul.f32 v24, v0;
	v53 =	vld.idx.msk [tilespmem:v20+s18+$0x0], $0xffff;
	v33 =	vadd.f32 $1.000000000e+00, v33  }
0x85: {  	[tilespmem:s0+$0xFFFFF010] =	vst v50;
	v31 =	vadd.f32 $1.000000000e+00, v52;
	v26 =	vmul.f32 v26, v0;
	(erf) = vrcp.f32 v22;
	v22 =	vld.idx.msk [tilespmem:v3+s18+$0x0], $0xffff  }
0x86: {  	[tilespmem:s30+$0x40] =	vst v46;
	v54 =	vld.idx.msk [tilespmem:v16+s18+$0x0], $0xffff;
	v25 =	vmul.f32 v25, v0;
	v24 =	vadd.f32 $1.000000000e+00, v24;
	(erf) = vrcp.f32 v33  }
0x87: {  	v19 =	vld.idx.msk [tilespmem:v19+s19+$0x0], $0xffff;
	[tilespmem:s30+$0x50] =	vst v47;
	v28 =	vmul.f32 v51, v0;
	v26 =	vadd.f32 $1.000000000e+00, v26;
	(erf) = vrcp.f32 v31  }
0x88: {  	v18 =	vld.idx.msk [tilespmem:v18+s19+$0x0], $0xffff;
	[tilespmem:s0+$0xFFFFF030] =	vst v37;
	v23 =	vmul.f32 v23, v0;
	v56 =	vpop (erf);
	(erf) = vrcp.f32 v24  }
0x89: {  	[tilespmem:s0+$0xFFFFF040] =	vst v38;
	v55 =	vld.idx.msk [tilespmem:v4+s18+$0x0], $0xffff;
	v25 =	vadd.f32 $1.000000000e+00, v25;
	(erf) = vrcp.f32 v26;
	v26 =	vmul.f32 v53, v0  }
0x8a: {  	[tilespmem:s0+$0xFFFFF050] =	vst v39;
	v57 =	vld.idx.msk [tilespmem:v1+s18+$0x0], $0xffff;
	v28 =	vadd.f32 $1.000000000e+00, v28;
	v23 =	vadd.f32 $1.000000000e+00, v23;
	v22 =	vmul.f32 v22, v0  }
0x8b: {  	[tilespmem:s0+$0xFFFFF060] =	vst v56;
	v24 =	vld.idx.msk [tilespmem:v2+s18+$0x0], $0xffff;
	(erf) = vrcp.f32 v25;
	v25 =	vmul.f32 v54, v0;
	v26 =	vadd.f32 $1.000000000e+00, v26  }
0x8c: {  	[tilespmem:s30+$0x60] =	vst v27;
	v58 =	vld.idx.msk [tilespmem:v5+s18+$0x0], $0xffff;
	v27 =	vpop (erf);
	v22 =	vadd.f32 $1.000000000e+00, v22;
	(erf) = vrcp.f32 v28  }
0x8d: {  	v17 =	vld.idx.msk [tilespmem:v17+s19+$0x0], $0xffff;
	v19 =	vmul.f32 v19, v0;
	[tilespmem:s30+$0x1000] =	vst v27;
	v27 =	vpop (erf);
	(erf) = vrcp.f32 v23;
	v23 =	vadd.f32 $1.000000000e+00, v25  }
0x8e: {  	s2 =	simm.s32 $0x13200;
	[tilespmem:s30+$0x1010] =	vst v27;
	v27 =	vpop (erf);
	v25 =	vmul.f32 v55, v0;
	(erf) = vrcp.f32 v26  }
0x8f: {  	v15 =	vld.idx.msk [tilespmem:v15+s19+$0x0], $0xffff;
	v59 =	vmul.f32 v57, v0;
	[tilespmem:s2+$0xFFFFE070] =	vst v27;
	(erf) = vrcp.f32 v23;
	v26 =	vpop (erf)  }
0x90: {  	v14 =	vld.idx.msk [tilespmem:v14+s19+$0x0], $0xffff;
	v24 =	vmul.f32 v24, v0;
	v25 =	vadd.f32 $1.000000000e+00, v25;
	(erf) = vrcp.f32 v22;
	[tilespmem:s2+$0xFFFFE010] =	vst v26;
	v22 =	vpop (erf)  }
0x91: {  	v18 =	vmul.f32 v18, v0;
	v23 =	vld.idx.msk [tilespmem:v12+s17+$0x0], $0xffff;
	v27 =	vmul.f32 v58, v0;
	v26 =	vadd.f32 $1.000000000e+00, v59;
	v61 =	vpop (erf);
	[tilespmem:s0+$0x70] =	vst v22  }
0x92: {  	v17 =	vmul.f32 v17, v0;
	v24 =	vadd.f32 $1.000000000e+00, v24;
	v60 =	vld.idx.msk [tilespmem:v11+s17+$0x0], $0xffff;
	(erf) = vrcp.f32 v25;
	[tilespmem:s2+$0xFFFFE020] =	vst v61;
	v22 =	vpop (erf)  }
0x93: {  	v19 =	vadd.f32 $1.000000000e+00, v19;
	v25 =	vadd.f32 $1.000000000e+00, v27;
	v27 =	vld.idx.msk [tilespmem:v21+s19+$0x0], $0xffff;
	(erf) = vrcp.f32 v26;
	[tilespmem:s2+$0xFFFFE030] =	vst v22;
	v21 =	vpop (erf)  }
0x94: {  	v15 =	vmul.f32 v15, v0;
	v17 =	vadd.f32 $1.000000000e+00, v17;
	v26 =	vld.idx.msk [tilespmem:v9+s17+$0x0], $0xffff;
	(erf) = vrcp.f32 v24;
	[tilespmem:s2+$0xFFFFE040] =	vst v21;
	v21 =	vpop (erf)  }
0x95: {  	v14 =	vmul.f32 v14, v0;
	v22 =	vadd.f32 $1.000000000e+00, v18;
	v62 =	vld.idx.msk [tilespmem:v8+s17+$0x0], $0xffff;
	(erf) = vrcp.f32 v25;
	[tilespmem:s2+$0xFFFFE050] =	vst v21;
	v21 =	vpop (erf)  }
0x96: {  	v15 =	vadd.f32 $1.000000000e+00, v15;
	v23 =	vmul.f32 v23, v0;
	v18 =	vld.idx.msk [tilespmem:v7+s17+$0x0], $0xffff;
	(erf) = vrcp.f32 v19;
	[tilespmem:s2+$0xFFFFE000] =	vst v21;
	v21 =	vpop (erf)  }
0x97: {  	v14 =	vadd.f32 $1.000000000e+00, v14;
	v19 =	vld.idx.msk [tilespmem:v10+s17+$0x0], $0xffff;
	(erf) = vrcp.f32 v22;
	v24 =	vmul.f32 v60, v0;
	[tilespmem:s2+$0xFFFFE060] =	vst v21;
	v25 =	vpop (erf)  }
0x98: {  	v63 =	vadd.f32 $1.000000000e+00, v23;
	v22 =	vld.idx.msk [tilespmem:v13+s17+$0x0], $0xffff;
	(erf) = vrcp.f32 v17;
	[tilespmem:s0+$0x0] =	vst v25;
	v25 =	vmul.f32 v27, v0  }
0x99: {  	[tilespmem:s30+$0x1070] =	vst v34;
	v21 =	vld.idx.msk [tilespmem:v6+s17+$0x0], $0xffff;
	v27 =	vpop (erf);
	(erf) = vrcp.f32 v15;
	v23 =	vadd.f32 $1.000000000e+00, v24;
	v24 =	vmul.f32 v26, v0  }
0x9a: {  	v17 =	vld.idx.msk [tilespmem:v20+s19+$0x0], $0xffff;
	[tilespmem:s0+$0x10] =	vst v27;
	v26 =	vpop (erf);
	(erf) = vrcp.f32 v14;
	v20 =	vmul.f32 v62, v0  }
0x9b: {  	s31 =	simm.s32 $0x100;
	s13 =	simm.s32 $0x1C0;
	s1 =	sshll.u32 s29, $0x6;
	v14 =	vmov v12;
	(erf) = vrcp.f32 v63;
	v15 =	vld.idx.msk [tilespmem:v16+s19+$0x0], $0xffff;
	[tilespmem:s0+$0x20] =	vst v26;
	v25 =	vadd.f32 $1.000000000e+00, v25;
	v16 =	vpop (erf)  }
.LBB2_3:
0x9c: {  	v26 =	vld [tilespmem:s13+$0x30];
	s31 =	sadd.s32 $0x80, s31;
	v24 =	vadd.f32 $1.000000000e+00, v24;
	v27 =	vmul.f32 v18, v0;
	(erf) = vrcp.f32 v23;
	[tilespmem:s0+$0x30] =	vst v16;
	v16 =	vpop (erf)  }
0x9d: {  	v28 =	vmul.f32 v19, v0;
	v23 =	vld [tilespmem:s13+$0xFFFFFFD0];
	p1 =	slt.u32 s31, $0xF80;
	v20 =	vadd.f32 $1.000000000e+00, v20;
	[tilespmem:s0+$0x40] =	vst v16;
	v16 =	vpop (erf);
	(erf) = vrcp.f32 v25  }
0x9e: {  	v22 =	vmul.f32 v22, v0;
	v18 =	vld [tilespmem:s13+$0xFFFFFFE0];
	v25 =	vadd.f32 $1.000000000e+00, v27;
	(erf) = vrcp.f32 v24;
	[tilespmem:s0+$0x50] =	vst v16;
	v16 =	vpop (erf)  }
0x9f: {  	v24 =	vadd.f32 $1.000000000e+00, v28;
	v21 =	vmul.f32 v21, v0;
	v19 =	vld [tilespmem:s13+$0xFFFFFFF0];
	(erf) = vrcp.f32 v20;
	[tilespmem:s0+$0x60] =	vst v16;
	v16 =	vpop (erf)  }
0xa0: {  	v22 =	vadd.f32 $1.000000000e+00, v22;
	v27 =	vmul.f32 v17, v0;
	v20 =	vld [tilespmem:s13+$0x0];
	(erf) = vrcp.f32 v25;
	[tilespmem:s30+$0x1020] =	vst v16;
	v16 =	vpop (erf)  }
0xa1: {  	v21 =	vadd.f32 $1.000000000e+00, v21;
	v28 =	vmul.f32 v15, v0;
	v25 =	vld [tilespmem:s13+$0x10];
	(erf) = vrcp.f32 v24;
	[tilespmem:s30+$0x1030] =	vst v16;
	v16 =	vpop (erf)  }
0xa2: {  	v17 =	vmov v12;
	v24 =	vld [tilespmem:s13+$0x20];
	(erf) = vrcp.f32 v22;
	v22 =	vadd.f32 $1.000000000e+00, v27;
	[tilespmem:s30+$0x1040] =	vst v16;
	v16 =	vpop (erf)  }
0xa3: {  	v12 =	vmov v26;
	v29 =	vadd.f32 $1.000000000e+00, v28;
	v27 =	vld [tilespmem:s13+$0xFFFFFFC0];
	(erf) = vrcp.f32 v21;
	[tilespmem:s30+$0x1050] =	vst v16;
	v15 =	vpop (erf)  }
0xa4: {  	v28 =	vld.idx.msk [tilespmem:v26+s12+$0x0], $0xffff;
	v16 =	vpop (erf);
	(erf) = vrcp.f32 v22;
	[tilespmem:s30+$0x1060] =	vst v15;
	v15 =	vmov v11;
	v11 =	vmov v23;
	s30 =	smov.u32 s0;
	s0 =	smov.u32 s2  }
0xa5: {  	v21 =	vmov v2;
	v2 =	vmov v10;
	v22 =	vld.idx.msk [tilespmem:v23+s12+$0x0], $0xffff;
	[tilespmem:s2+$0xFFFFF070] =	vst v16;
	v16 =	vpop (erf);
	(erf) = vrcp.f32 v29  }
0xa6: {  	[tilespmem:s2+$0xFFFFF010] =	vst v16;
	v23 =	vld.idx.msk [tilespmem:v14+s18+$0x0], $0xffff;
	v16 =	vpop (erf);
	v14 =	vmov v26;
	v10 =	vmov v25;
	v26 =	vmov v5  }
0xa7: {  	v5 =	vmov v6;
	v29 =	vld.idx.msk [tilespmem:v18+s12+$0x0], $0xffff;
	v30 =	vpop (erf);
	[tilespmem:s30+$0x1070] =	vst v16;
	v6 =	vmov v24;
	v16 =	vmov v13  }
0xa8: {  	v24 =	vld.idx.msk [tilespmem:v19+s12+$0x0], $0xffff;
	[tilespmem:s2+$0xFFFFF020] =	vst v30;
	v30 =	vpop (erf);
	v13 =	vmov v27  }
0xa9: {  	v31 =	vld.idx.msk [tilespmem:v20+s12+$0x0], $0xffff;
	[tilespmem:s2+$0xFFFFF030] =	vst v30;
	v30 =	vpop (erf)  }
0xaa: {  	v28 =	vmul.f32 v28, v0;
	v25 =	vld.idx.msk [tilespmem:v25+s12+$0x0], $0xffff;
	[tilespmem:s2+$0xFFFFF040] =	vst v30;
	v30 =	vpop (erf)  }
0xab: {  	v22 =	vmul.f32 v22, v0;
	v27 =	vld.idx.msk [tilespmem:v27+s12+$0x0], $0xffff;
	[tilespmem:s2+$0xFFFFF050] =	vst v30;
	v30 =	vpop (erf)  }
0xac: {  	v28 =	vadd.f32 $1.000000000e+00, v28;
	v23 =	vmul.f32 v23, v0;
	v32 =	vld.idx.msk [tilespmem:v6+s12+$0x0], $0xffff;
	[tilespmem:s2+$0xFFFFF000] =	vst v30;
	v30 =	vpop (erf)  }
0xad: {  	v22 =	vadd.f32 $1.000000000e+00, v22;
	v29 =	vmul.f32 v29, v0;
	v33 =	vld.idx.msk [tilespmem:v16+s18+$0x0], $0xffff;
	[tilespmem:s2+$0xFFFFF060] =	vst v30;
	v30 =	vpop (erf)  }
0xae: {  	v24 =	vmul.f32 v24, v0;
	v23 =	vadd.f32 $1.000000000e+00, v23;
	(erf) = vrcp.f32 v28;
	v28 =	vld.idx.msk [tilespmem:v15+s18+$0x0], $0xffff;
	[tilespmem:s30+$0x1000] =	vst v30;
	v30 =	vpop (erf)  }
0xaf: {  	v29 =	vadd.f32 $1.000000000e+00, v29;
	v31 =	vmul.f32 v31, v0;
	(erf) = vrcp.f32 v22;
	v22 =	vld.idx.msk [tilespmem:v9+s18+$0x0], $0xffff;
	[tilespmem:s30+$0x1010] =	vst v30  }
0xb0: {  	v24 =	vadd.f32 $1.000000000e+00, v24;
	v25 =	vmul.f32 v25, v0;
	v30 =	vld.idx.msk [tilespmem:v8+s18+$0x0], $0xffff;
	(erf) = vrcp.f32 v23  }
0xb1: {  	v23 =	vmul.f32 v27, v0;
	v27 =	vadd.f32 $1.000000000e+00, v31;
	(erf) = vrcp.f32 v29;
	v29 =	vld.idx.msk [tilespmem:v7+s18+$0x0], $0xffff  }
0xb2: {  	v25 =	vadd.f32 $1.000000000e+00, v25;
	v31 =	vmul.f32 v32, v0;
	(erf) = vrcp.f32 v24;
	v24 =	vld.idx.msk [tilespmem:v2+s18+$0x0], $0xffff  }
0xb3: {  	v23 =	vadd.f32 $1.000000000e+00, v23;
	(erf) = vrcp.f32 v27;
	v27 =	vmul.f32 v33, v0;
	v32 =	vld.idx.msk [tilespmem:v5+s18+$0x0], $0xffff  }
0xb4: {  	v31 =	vadd.f32 $1.000000000e+00, v31;
	(erf) = vrcp.f32 v25;
	v25 =	vmul.f32 v28, v0;
	v28 =	vld.idx.msk [tilespmem:v3+s19+$0x0], $0xffff;
	v3 =	vmovc v9;
	v9 =	vmovc v18  }
0xb5: {  	v22 =	vmul.f32 v22, v0;
	(erf) = vrcp.f32 v23;
	v18 =	vadd.f32 $1.000000000e+00, v27;
	v23 =	vld.idx.msk [tilespmem:v4+s19+$0x0], $0xffff;
	v4 =	vmovc v8;
	v8 =	vmovc v19  }
0xb6: {  	(erf) = vrcp.f32 v31;
	v19 =	vadd.f32 $1.000000000e+00, v25;
	v25 =	vmul.f32 v30, v0;
	v27 =	vld.idx.msk [tilespmem:v1+s19+$0x0], $0xffff;
	v1 =	vmovc v7;
	v7 =	vmovc v20  }
0xb7: {  	s2 =	sadd.s32 $0x80, s2;
	v31 =	vadd.f32 $1.000000000e+00, v22;
	v29 =	vmul.f32 v29, v0;
	v20 =	vpop (erf);
	(erf) = vrcp.f32 v18;
	v18 =	vld.idx.msk [tilespmem:v21+s19+$0x0], $0xffff  }
0xb8: {  	v24 =	vmul.f32 v24, v0;
	[tilespmem:s2+$0xFFFFE070] =	vst v20;
	v20 =	vpop (erf);
	v21 =	vadd.f32 $1.000000000e+00, v25;
	(erf) = vrcp.f32 v19;
	v19 =	vld.idx.msk [tilespmem:v26+s19+$0x0], $0xffff  }
0xb9: {  	v25 =	vadd.f32 $1.000000000e+00, v29;
	v26 =	vmul.f32 v32, v0;
	[tilespmem:s2+$0xFFFFE010] =	vst v20;
	v20 =	vld.idx.msk [tilespmem:v12+s17+$0x0], $0xffff;
	(erf) = vrcp.f32 v31;
	v22 =	vpop (erf)  }
0xba: {  	v24 =	vadd.f32 $1.000000000e+00, v24;
	v29 =	vld.idx.msk [tilespmem:v11+s17+$0x0], $0xffff;
	v30 =	vpop (erf);
	[tilespmem:s0+$0x70] =	vst v22;
	(erf) = vrcp.f32 v21;
	v21 =	vmul.f32 v28, v0  }
0xbb: {  	v26 =	vadd.f32 $1.000000000e+00, v26;
	v23 =	vmul.f32 v23, v0;
	[tilespmem:s2+$0xFFFFE020] =	vst v30;
	v22 =	vpop (erf);
	v17 =	vld.idx.msk [tilespmem:v17+s19+$0x0], $0xffff;
	(erf) = vrcp.f32 v25  }
0xbc: {  	v25 =	vld.idx.msk [tilespmem:v9+s17+$0x0], $0xffff;
	[tilespmem:s2+$0xFFFFE030] =	vst v22;
	v22 =	vpop (erf);
	(erf) = vrcp.f32 v24;
	v30 =	vadd.f32 $1.000000000e+00, v21;
	v24 =	vmul.f32 v27, v0  }
0xbd: {  	v23 =	vadd.f32 $1.000000000e+00, v23;
	v27 =	vld.idx.msk [tilespmem:v8+s17+$0x0], $0xffff;
	[tilespmem:s2+$0xFFFFE040] =	vst v22;
	v22 =	vpop (erf);
	(erf) = vrcp.f32 v26;
	v26 =	vmul.f32 v18, v0  }
0xbe: {  	v28 =	vmul.f32 v19, v0;
	v18 =	vld.idx.msk [tilespmem:v7+s17+$0x0], $0xffff;
	[tilespmem:s2+$0xFFFFE050] =	vst v22;
	v22 =	vpop (erf);
	v24 =	vadd.f32 $1.000000000e+00, v24;
	(erf) = vrcp.f32 v30  }
.Ltmp0:
0xbf: {  	v31 =	vmul.f32 v20, v0;
	[tilespmem:s2+$0xFFFFE000] =	vst v22;
	v19 =	vld.idx.msk [tilespmem:v10+s17+$0x0], $0xffff;
	v21 =	vpop (erf);
	v26 =	vadd.f32 $1.000000000e+00, v26;
	(erf) = vrcp.f32 v23;
	(pc) =	sbr.rel @p1 .LBB2_3-.Ltmp0, $4  }
0xc0: {  	v23 =	vmul.f32 v29, v0;
	v28 =	vadd.f32 $1.000000000e+00, v28;
	v22 =	vld.idx.msk [tilespmem:v13+s17+$0x0], $0xffff;
	[tilespmem:s2+$0xFFFFE060] =	vst v21;
	v29 =	vpop (erf);
	(erf) = vrcp.f32 v24  }
0xc1: {  	v30 =	vadd.f32 $1.000000000e+00, v31;
	v21 =	vld.idx.msk [tilespmem:v6+s17+$0x0], $0xffff;
	[tilespmem:s0+$0x0] =	vst v29;
	v29 =	vmul.f32 v17, v0;
	v20 =	vpop (erf);
	(erf) = vrcp.f32 v26  }
0xc2: {  	v23 =	vadd.f32 $1.000000000e+00, v23;
	v24 =	vmul.f32 v25, v0;
	v17 =	vld.idx.msk [tilespmem:v16+s19+$0x0], $0xffff;
	[tilespmem:s0+$0x10] =	vst v20;
	v16 =	vpop (erf);
	(erf) = vrcp.f32 v28  }
0xc3: {  	s13 =	sadd.s32 $0x80, s13;
	v20 =	vmul.f32 v27, v0;
	(erf) = vrcp.f32 v30;
	v15 =	vld.idx.msk [tilespmem:v15+s19+$0x0], $0xffff;
	[tilespmem:s0+$0x20] =	vst v16;
	v25 =	vadd.f32 $1.000000000e+00, v29;
	v16 =	vpop (erf)  }
0xc4: {  	v24 =	vadd.f32 $1.000000000e+00, v24;
	v18 =	vmul.f32 v18, v0  }
0xc5: {  	v19 =	vmul.f32 v19, v0;
	v20 =	vadd.f32 $1.000000000e+00, v20  }
0xc6: {  	(erf) = vrcp.f32 v23;
	v23 =	vpop (erf);
	v22 =	vmul.f32 v22, v0;
	v18 =	vadd.f32 $1.000000000e+00, v18  }
0xc7: {  	v26 =	vpop (erf);
	(erf) = vrcp.f32 v25;
	v19 =	vadd.f32 $1.000000000e+00, v19  }
0xc8: {  	(erf) = vrcp.f32 v24;
	v22 =	vadd.f32 $1.000000000e+00, v22;
	v24 =	vpop (erf)  }
0xc9: {  	(erf) = vrcp.f32 v20;
	v20 =	vpop (erf)  }
0xca: {  	(erf) = vrcp.f32 v18;
	v18 =	vpop (erf)  }
0xcb: {  	(erf) = vrcp.f32 v19;
	v19 =	vpop (erf)  }
0xcc: {  	v21 =	vmul.f32 v21, v0;
	(erf) = vrcp.f32 v22;
	v22 =	vpop (erf)  }
0xcd: {  	v25 =	vpop (erf)  }
0xce: {  	v21 =	vadd.f32 $1.000000000e+00, v21;
	v27 =	vpop (erf)  }
0xcf: {  	v28 =	vpop (erf)  }
0xd0: {  	v29 =	vpop (erf)  }
0xd1: {  	v30 =	vpop (erf);
	(erf) = vrcp.f32 v21  }
0xd2: {  	v21 =	vpop (erf)  }
0xd3: {  	v31 =	vpop (erf)  }
0xd4: {  	v32 =	vpop (erf)  }
0xd5: {  	[tilespmem:s2+$0xFFFFF070] =	vst v27;
	v27 =	vpop (erf)  }
0xd6: {  	v14 =	vld.idx.msk [tilespmem:v14+s18+$0x0], $0xffff;
	[tilespmem:s2+$0xFFFFF000] =	vst v27  }
0xd7: {  	[tilespmem:s2+$0xFFFFF010] =	vst v28;
	v27 =	vld.idx.msk [tilespmem:v13+s18+$0x0], $0xffff  }
0xd8: {  	v17 =	vmul.f32 v17, v0;
	v28 =	vld.idx.msk [tilespmem:v11+s18+$0x0], $0xffff;
	[tilespmem:s2+$0xFFFFF020] =	vst v30  }
0xd9: {  	[tilespmem:s2+$0xFFFFF030] =	vst v21;
	v21 =	vld.idx.msk [tilespmem:v9+s18+$0x0], $0xffff  }
0xda: {  	v15 =	vmul.f32 v15, v0;
	v17 =	vadd.f32 $1.000000000e+00, v17;
	[tilespmem:s2+$0xFFFFF040] =	vst v31;
	v36 =	vld.idx.msk [tilespmem:v8+s18+$0x0], $0xffff;
	v37 =	vpop (erf)  }
0xdb: {  	v14 =	vmul.f32 v14, v0;
	v38 =	vld.idx.msk [tilespmem:v7+s18+$0x0], $0xffff;
	[tilespmem:s2+$0xFFFFF060] =	vst v37  }
0xdc: {  	v15 =	vadd.f32 $1.000000000e+00, v15;
	(erf) = vrcp.f32 v17;
	[tilespmem:s2+$0xFFFFF050] =	vst v32;
	v27 =	vmul.f32 v27, v0;
	v17 =	vld.idx.msk [tilespmem:v6+s18+$0x0], $0xffff  }
0xdd: {  	v39 =	vld.idx.msk [tilespmem:v10+s18+$0x0], $0xffff;
	v28 =	vmul.f32 v28, v0;
	v14 =	vadd.f32 $1.000000000e+00, v14  }
0xde: {  	(erf) = vrcp.f32 v15;
	v21 =	vmul.f32 v21, v0;
	v15 =	vadd.f32 $1.000000000e+00, v27  }
0xdf: {  	(erf) = vrcp.f32 v14;
	v14 =	vadd.f32 $1.000000000e+00, v28;
	v27 =	vmul.f32 v36, v0  }
0xe0: {  	v21 =	vadd.f32 $1.000000000e+00, v21;
	v40 =	vmul.f32 v38, v0;
	(erf) = vrcp.f32 v15  }
0xe1: {  	v15 =	vadd.f32 $1.000000000e+00, v27;
	(erf) = vrcp.f32 v14;
	v17 =	vmul.f32 v17, v0  }
0xe2: {  	v27 =	vmul.f32 v39, v0;
	v14 =	vadd.f32 $1.000000000e+00, v40;
	(erf) = vrcp.f32 v21  }
0xe3: {  	(erf) = vrcp.f32 v15;
	v15 =	vadd.f32 $1.000000000e+00, v17  }
0xe4: {  	v3 =	vld.idx.msk [tilespmem:v3+s19+$0x0], $0xffff;
	v21 =	vadd.f32 $1.000000000e+00, v27  }
0xe5: {  	[tilespmem:s0+$0x30] =	vst v16;
	(erf) = vrcp.f32 v14  }
0xe6: {  	[tilespmem:s0+$0x40] =	vst v23;
	v4 =	vld.idx.msk [tilespmem:v4+s19+$0x0], $0xffff;
	(erf) = vrcp.f32 v21;
	v14 =	vpop (erf)  }
0xe7: {  	[tilespmem:s0+$0x50] =	vst v26;
	v1 =	vld.idx.msk [tilespmem:v1+s19+$0x0], $0xffff;
	(erf) = vrcp.f32 v15;
	v15 =	vpop (erf)  }
0xe8: {  	v2 =	vld.idx.msk [tilespmem:v2+s19+$0x0], $0xffff;
	[tilespmem:s0+$0x60] =	vst v24;
	v16 =	vpop (erf)  }
0xe9: {  	v3 =	vmul.f32 v3, v0;
	v5 =	vld.idx.msk [tilespmem:v5+s19+$0x0], $0xffff;
	[tilespmem:s2+$0x70] =	vst v16;
	v16 =	vpop (erf)  }
0xea: {  	v12 =	vld.idx.msk [tilespmem:v12+s19+$0x0], $0xffff;
	[tilespmem:s2+$0x0] =	vst v16;
	v16 =	vpop (erf)  }
0xeb: {  	v4 =	vmul.f32 v4, v0;
	v3 =	vadd.f32 $1.000000000e+00, v3;
	v13 =	vld.idx.msk [tilespmem:v13+s19+$0x0], $0xffff;
	[tilespmem:s2+$0x10] =	vst v16;
	v16 =	vpop (erf)  }
0xec: {  	v1 =	vmul.f32 v1, v0;
	v11 =	vld.idx.msk [tilespmem:v11+s19+$0x0], $0xffff;
	[tilespmem:s2+$0x20] =	vst v16  }
0xed: {  	[tilespmem:s30+$0x1020] =	vst v20;
	v4 =	vadd.f32 $1.000000000e+00, v4;
	v2 =	vmul.f32 v2, v0;
	v16 =	vpop (erf);
	v9 =	vld.idx.msk [tilespmem:v9+s19+$0x0], $0xffff  }
0xee: {  	v1 =	vadd.f32 $1.000000000e+00, v1;
	v5 =	vmul.f32 v5, v0;
	(erf) = vrcp.f32 v3;
	[tilespmem:s2+$0x30] =	vst v16;
	v16 =	vpop (erf)  }
0xef: {  	v2 =	vadd.f32 $1.000000000e+00, v2;
	(erf) = vrcp.f32 v4;
	[tilespmem:s2+$0x40] =	vst v16;
	v3 =	vpop (erf);
	v8 =	vld.idx.msk [tilespmem:v8+s19+$0x0], $0xffff;
	v4 =	vmul.f32 v12, v0  }
0xf0: {  	v5 =	vadd.f32 $1.000000000e+00, v5;
	(erf) = vrcp.f32 v1;
	[tilespmem:s2+$0x50] =	vst v3;
	v3 =	vpop (erf);
	v7 =	vld.idx.msk [tilespmem:v7+s19+$0x0], $0xffff;
	v1 =	vmul.f32 v13, v0  }
0xf1: {  	(erf) = vrcp.f32 v2;
	[tilespmem:s2+$0x60] =	vst v3;
	v3 =	vld.idx.msk [tilespmem:v10+s19+$0x0], $0xffff;
	v2 =	vadd.f32 $1.000000000e+00, v4;
	v4 =	vmul.f32 v11, v0  }
0xf2: {  	[tilespmem:s30+$0x1030] =	vst v18;
	(erf) = vrcp.f32 v5;
	v6 =	vld.idx.msk [tilespmem:v6+s19+$0x0], $0xffff;
	v1 =	vadd.f32 $1.000000000e+00, v1;
	v5 =	vmul.f32 v9, v0  }
0xf3: {  	[tilespmem:s30+$0x1040] =	vst v19;
	(erf) = vrcp.f32 v2;
	v2 =	vadd.f32 $1.000000000e+00, v4  }
0xf4: {  	[tilespmem:s30+$0x1050] =	vst v22;
	v4 =	vmul.f32 v8, v0;
	(erf) = vrcp.f32 v1;
	v1 =	vadd.f32 $1.000000000e+00, v5  }
0xf5: {  	[tilespmem:s30+$0x1060] =	vst v25;
	v5 =	vmul.f32 v7, v0  }
0xf6: {  	[tilespmem:s0+$0x1070] =	vst v29;
	(erf) = vrcp.f32 v2;
	v2 =	vadd.f32 $1.000000000e+00, v4;
	v3 =	vmul.f32 v3, v0  }
0xf7: {  	[tilespmem:s0+$0x1000] =	vst v14;
	v4 =	vadd.f32 $1.000000000e+00, v5;
	v5 =	vmul.f32 v6, v0;
	(erf) = vrcp.f32 v1  }
0xf8: {  	[tilespmem:s0+$0x1010] =	vst v15;
	v3 =	vadd.f32 $1.000000000e+00, v3;
	(erf) = vrcp.f32 v2;
	v1 =	vpop (erf)  }
0xf9: {  	v2 =	vadd.f32 $1.000000000e+00, v5;
	(erf) = vrcp.f32 v4;
	[tilespmem:s0+$0x1020] =	vst v1;
	v1 =	vpop (erf)  }
0xfa: {  	[tilespmem:s0+$0x1030] =	vst v1;
	v1 =	vpop (erf);
	(erf) = vrcp.f32 v3  }
0xfb: {  	[tilespmem:s0+$0x1040] =	vst v1;
	v1 =	vpop (erf);
	(erf) = vrcp.f32 v2  }
0xfc: {  	[tilespmem:s0+$0x1050] =	vst v1;
	v1 =	vpop (erf)  }
0xfd: {  	[tilespmem:s0+$0x1060] =	vst v1;
	v1 =	vpop (erf)  }
0xfe: {  	[tilespmem:s2+$0x1070] =	vst v1;
	v1 =	vpop (erf)  }
0xff: {  	[tilespmem:s2+$0x1000] =	vst v1;
	v1 =	vpop (erf)  }
0x100: {  	[tilespmem:s2+$0x1010] =	vst v1;
	v1 =	vpop (erf)  }
0x101: {  	[tilespmem:s2+$0x1020] =	vst v1;
	v1 =	vpop (erf)  }
0x102: {  	[tilespmem:s2+$0x1030] =	vst v1;
	v1 =	vpop (erf)  }
0x103: {  	p1 =	seq.s32 s29, $0xF;
	[tilespmem:s2+$0x1040] =	vst v1;
	v1 =	vpop (erf)  }
0x104: {  	s30 =	sshrl.u32 @!p1 s1, $0x2;
	[tilespmem:s2+$0x1050] =	vst v1;
	v1 =	vpop (erf)  }
0x105: {  	s1 =	simm.s32 @!p1 $0x4;
	s0 =	sadd.s32 @!p1 $0x1010, s30;
	[tilespmem:s2+$0x1060] =	vst v1;
	s2 =	simm.s32 @!p1 $0x1100  }
0x106: {  	[tilespmem:s2], [sflag:$0x1] =	stream.indirect.gather @!p1 [hbm4b:s4+s1], $0x2000, s0, s1, $0xb8;
	[tilespmem:$0x19110] =	vst v63  }
0x107: {  	s1 =	sshll.u32 s29, $0xC  }
0x108: {  	s31 =	sadd.s32 s1, s7  }
0x109: {  	[hbm4b:s31+s3] =	stream.linear.scatter [tilespmem:s20], [sflag:$0x3], $0x4000, $0x38;
	[tilespmem:$0x19110] =	vst v63  }
0x10a: {  	_ =	swait.ge [sflag:s21], $0x8000  }
0x10b: {  	[sflag:s21] =	ssyncset.done $0x0  }
0x10c: {  	s0 =	simm.s32 @!p0 $0x4;
	[sflag:s21] =	ssyncadd.s32 $0xFFFF8000  }
0x10d: {  	_ =	swait.ge @!p0 [sflag:s0], $0x4000  }
0x10e: {  	[sflag:s0] =	ssyncset.done @!p0 $0x0  }
0x10f: {  	s2 =	simm.s32 $0x40;
	[sflag:s0] =	ssyncadd.s32 @!p0 $0xFFFFC000  }
0x110: {  	v8 =	vld [tilespmem:s2+$0x30]  }
0x111: {  	v6 =	vld [tilespmem:s2+$0xFFFFFFD0]  }
0x112: {  	v19 =	vld [tilespmem:s2+$0xFFFFFFE0]  }
0x113: {  	v18 =	vld [tilespmem:s2+$0xFFFFFFF0]  }
0x114: {  	v17 =	vld [tilespmem:s2+$0x0]  }
0x115: {  	v15 =	vld [tilespmem:s2+$0x10]  }
0x116: {  	v7 =	vld [tilespmem:s2+$0xFFFFFFC0]  }
0x117: {  	v14 =	vld [tilespmem:s2+$0x20]  }
0x118: {  	v1 =	vld.idx.msk [tilespmem:v8+s14+$0x0], $0xffff  }
0x119: {  	v2 =	vld.idx.msk [tilespmem:v6+s14+$0x0], $0xffff  }
0x11a: {  	v3 =	vld.idx.msk [tilespmem:v19+s14+$0x0], $0xffff  }
0x11b: {  	v4 =	vld.idx.msk [tilespmem:v18+s14+$0x0], $0xffff  }
0x11c: {  	v5 =	vld.idx.msk [tilespmem:v17+s14+$0x0], $0xffff  }
0x11d: {  	v9 =	vld.idx.msk [tilespmem:v15+s14+$0x0], $0xffff;
	v1 =	vmul.f32 v1, v0  }
0x11e: {  	v10 =	vld.idx.msk [tilespmem:v7+s14+$0x0], $0xffff;
	v2 =	vmul.f32 v2, v0  }
0x11f: {  	v11 =	vld.idx.msk [tilespmem:v14+s14+$0x0], $0xffff;
	v3 =	vmul.f32 v3, v0;
	v1 =	vadd.f32 $1.000000000e+00, v1  }
0x120: {  	v4 =	vmul.f32 v4, v0;
	v2 =	vadd.f32 $1.000000000e+00, v2  }
0x121: {  	(erf) = vrcp.f32 v1;
	v1 =	vadd.f32 $1.000000000e+00, v3;
	v3 =	vmul.f32 v5, v0  }
0x122: {  	(erf) = vrcp.f32 v2;
	v2 =	vadd.f32 $1.000000000e+00, v4;
	v4 =	vmul.f32 v9, v0  }
0x123: {  	v5 =	vmul.f32 v10, v0;
	v3 =	vadd.f32 $1.000000000e+00, v3;
	(erf) = vrcp.f32 v1  }
0x124: {  	v1 =	vadd.f32 $1.000000000e+00, v4;
	(erf) = vrcp.f32 v2;
	v2 =	vmul.f32 v11, v0  }
0x125: {  	v4 =	vadd.f32 $1.000000000e+00, v5;
	(erf) = vrcp.f32 v3  }
0x126: {  	(erf) = vrcp.f32 v1;
	v1 =	vadd.f32 $1.000000000e+00, v2  }
0x127: {  	(erf) = vrcp.f32 v4;
	_ =	sdelay $0x2  }
0x128: {  	s0 =	simm.s32 $0x17100;
	(erf) = vrcp.f32 v1;
	v1 =	vpop (erf)  }
0x129: {  	[tilespmem:s0+$0xFFFFE070] =	vst v1;
	v1 =	vpop (erf)  }
0x12a: {  	v2 =	vld.idx.msk [tilespmem:v8+s22+$0x0], $0xffff;
	[tilespmem:s0+$0xFFFFE010] =	vst v1;
	v1 =	vpop (erf)  }
0x12b: {  	v3 =	vld.idx.msk [tilespmem:v6+s22+$0x0], $0xffff;
	[tilespmem:s0+$0xFFFFE020] =	vst v1;
	v1 =	vpop (erf)  }
0x12c: {  	v4 =	vld.idx.msk [tilespmem:v19+s22+$0x0], $0xffff;
	[tilespmem:s0+$0xFFFFE030] =	vst v1;
	v1 =	vpop (erf)  }
0x12d: {  	v5 =	vld.idx.msk [tilespmem:v18+s22+$0x0], $0xffff;
	[tilespmem:s0+$0xFFFFE040] =	vst v1;
	v1 =	vpop (erf)  }
0x12e: {  	v9 =	vld.idx.msk [tilespmem:v17+s22+$0x0], $0xffff;
	[tilespmem:s0+$0xFFFFE050] =	vst v1;
	v1 =	vpop (erf)  }
0x12f: {  	v2 =	vmul.f32 v2, v0;
	[tilespmem:s0+$0xFFFFE000] =	vst v1;
	v1 =	vld.idx.msk [tilespmem:v15+s22+$0x0], $0xffff  }
0x130: {  	v11 =	vld.idx.msk [tilespmem:v7+s22+$0x0], $0xffff;
	v3 =	vmul.f32 v3, v0  }
0x131: {  	v2 =	vadd.f32 $1.000000000e+00, v2;
	v4 =	vmul.f32 v4, v0  }
0x132: {  	s13 =	simm.s32 $0xC0;
	v3 =	vadd.f32 $1.000000000e+00, v3;
	v5 =	vmul.f32 v5, v0  }
0x133: {  	v21 =	vld [tilespmem:s13+$0x30];
	(erf) = vrcp.f32 v2;
	v2 =	vadd.f32 $1.000000000e+00, v4;
	v4 =	vmul.f32 v9, v0  }
0x134: {  	v16 =	vld [tilespmem:s13+$0xFFFFFFD0];
	(erf) = vrcp.f32 v3;
	v5 =	vadd.f32 $1.000000000e+00, v5;
	v1 =	vmul.f32 v1, v0  }
0x135: {  	v20 =	vld [tilespmem:s13+$0xFFFFFFC0];
	v10 =	vpop (erf);
	v9 =	vmul.f32 v11, v0;
	v11 =	vadd.f32 $1.000000000e+00, v4;
	(erf) = vrcp.f32 v2  }
0x136: {  	[tilespmem:s0+$0xFFFFE060] =	vst v10;
	v3 =	vld [tilespmem:s13+$0xFFFFFFE0];
	v12 =	vadd.f32 $1.000000000e+00, v1;
	(erf) = vrcp.f32 v5  }
0x137: {  	v10 =	vld.idx.msk [tilespmem:v14+s22+$0x0], $0xffff;
	v9 =	vadd.f32 $1.000000000e+00, v9;
	(erf) = vrcp.f32 v11  }
0x138: {  	v4 =	vld [tilespmem:s13+$0xFFFFFFF0];
	(erf) = vrcp.f32 v12  }
0x139: {  	v1 =	vld [tilespmem:s13+$0x0];
	(erf) = vrcp.f32 v9  }
0x13a: {  	v2 =	vld [tilespmem:s13+$0x10]  }
0x13b: {  	v5 =	vld [tilespmem:s13+$0x20]  }
0x13c: {  	v9 =	vld.idx.msk [tilespmem:v21+s14+$0x0], $0xffff;
	v11 =	vpop (erf)  }
0x13d: {  	v12 =	vld.idx.msk [tilespmem:v16+s14+$0x0], $0xffff;
	[tilespmem:s0+$0xFFFFF070] =	vst v11;
	v11 =	vpop (erf)  }
0x13e: {  	v22 =	vld.idx.msk [tilespmem:v3+s14+$0x0], $0xffff;
	v23 =	vpop (erf)  }
0x13f: {  	v10 =	vmul.f32 v10, v0;
	v13 =	vld.idx.msk [tilespmem:v8+s23+$0x0], $0xffff;
	v25 =	vpop (erf)  }
0x140: {  	v24 =	vld.idx.msk [tilespmem:v4+s14+$0x0], $0xffff;
	v27 =	vpop (erf)  }
0x141: {  	v10 =	vadd.f32 $1.000000000e+00, v10;
	v26 =	vld.idx.msk [tilespmem:v1+s14+$0x0], $0xffff;
	v9 =	vmul.f32 v9, v0;
	v42 =	vpop (erf)  }
0x142: {  	v41 =	vld.idx.msk [tilespmem:v2+s14+$0x0], $0xffff;
	v44 =	vpop (erf)  }
0x143: {  	v43 =	vld.idx.msk [tilespmem:v20+s14+$0x0], $0xffff;
	(erf) = vrcp.f32 v10;
	v12 =	vmul.f32 v12, v0;
	v9 =	vadd.f32 $1.000000000e+00, v9;
	[tilespmem:s0+$0xFFFFF000] =	vst v44  }
0x144: {  	[tilespmem:s0+$0xFFFFF010] =	vst v11;
	v22 =	vmul.f32 v22, v0;
	v13 =	vmul.f32 v13, v0;
	v11 =	vld.idx.msk [tilespmem:v7+s23+$0x0], $0xffff  }
0x145: {  	v10 =	vld.idx.msk [tilespmem:v5+s14+$0x0], $0xffff;
	v12 =	vadd.f32 $1.000000000e+00, v12;
	v24 =	vmul.f32 v24, v0;
	(erf) = vrcp.f32 v9  }
0x146: {  	v22 =	vadd.f32 $1.000000000e+00, v22;
	v26 =	vmul.f32 v26, v0;
	v9 =	vadd.f32 $1.000000000e+00, v13;
	v13 =	vld.idx.msk [tilespmem:v6+s23+$0x0], $0xffff  }
0x147: {  	(erf) = vrcp.f32 v12;
	v12 =	vadd.f32 $1.000000000e+00, v24;
	v24 =	vmul.f32 v41, v0  }
0x148: {  	(erf) = vrcp.f32 v9;
	v9 =	vmul.f32 v43, v0  }
0x149: {  	v26 =	vadd.f32 $1.000000000e+00, v26;
	(erf) = vrcp.f32 v22;
	v11 =	vmul.f32 v11, v0  }
0x14a: {  	[tilespmem:s0+$0xFFFFF020] =	vst v23;
	v10 =	vmul.f32 v10, v0;
	v22 =	vadd.f32 $1.000000000e+00, v24;
	(erf) = vrcp.f32 v12  }
0x14b: {  	[tilespmem:s0+$0xFFFFF040] =	vst v27;
	v9 =	vadd.f32 $1.000000000e+00, v9;
	v12 =	vld.idx.msk [tilespmem:v19+s23+$0x0], $0xffff;
	(erf) = vrcp.f32 v26;
	v13 =	vmul.f32 v13, v0  }
0x14c: {  	[tilespmem:s0+$0xFFFFF030] =	vst v25;
	v23 =	vld.idx.msk [tilespmem:v17+s23+$0x0], $0xffff;
	v10 =	vadd.f32 $1.000000000e+00, v10;
	(erf) = vrcp.f32 v22  }
0x14d: {  	[tilespmem:s0+$0xFFFFF050] =	vst v42;
	v22 =	vld.idx.msk [tilespmem:v18+s23+$0x0], $0xffff;
	(erf) = vrcp.f32 v9;
	v9 =	vadd.f32 $1.000000000e+00, v11;
	v11 =	vpop (erf)  }
0x14e: {  	(erf) = vrcp.f32 v10;
	v10 =	vadd.f32 $1.000000000e+00, v13;
	[tilespmem:s0+$0xFFFFF060] =	vst v11;
	v11 =	vld.idx.msk [tilespmem:v15+s23+$0x0], $0xffff  }
0x14f: {  	s2 =	simm.s32 $0x17180;
	v13 =	vpop (erf);
	(erf) = vrcp.f32 v9  }
0x150: {  	v12 =	vmul.f32 v12, v0;
	v9 =	vld.idx.msk [tilespmem:v14+s23+$0x0], $0xffff;
	[tilespmem:s2+$0xFFFFE070] =	vst v13;
	v13 =	vpop (erf);
	(erf) = vrcp.f32 v10  }
0x151: {  	[tilespmem:s2+$0xFFFFE010] =	vst v13;
	v10 =	vld.idx.msk [tilespmem:v21+s22+$0x0], $0xffff;
	v13 =	vpop (erf)  }
0x152: {  	v23 =	vmul.f32 v23, v0;
	v12 =	vadd.f32 $1.000000000e+00, v12;
	v24 =	vld.idx.msk [tilespmem:v16+s22+$0x0], $0xffff;
	v25 =	vpop (erf);
	[tilespmem:s0+$0x70] =	vst v13;
	v13 =	vmul.f32 v22, v0  }
0x153: {  	[tilespmem:s2+$0xFFFFE020] =	vst v25;
	v22 =	vpop (erf);
	v8 =	vld.idx.msk [tilespmem:v8+s24+$0x0], $0xffff;
	v11 =	vmul.f32 v11, v0  }
0x154: {  	v23 =	vadd.f32 $1.000000000e+00, v23;
	v25 =	vld.idx.msk [tilespmem:v3+s22+$0x0], $0xffff;
	[tilespmem:s2+$0xFFFFE030] =	vst v22;
	v22 =	vpop (erf);
	v13 =	vadd.f32 $1.000000000e+00, v13  }
0x155: {  	(erf) = vrcp.f32 v12;
	v26 =	vld.idx.msk [tilespmem:v4+s22+$0x0], $0xffff;
	[tilespmem:s2+$0xFFFFE040] =	vst v22;
	v22 =	vpop (erf);
	v9 =	vmul.f32 v9, v0;
	v11 =	vadd.f32 $1.000000000e+00, v11  }
0x156: {  	v27 =	vld.idx.msk [tilespmem:v1+s22+$0x0], $0xffff;
	[tilespmem:s2+$0xFFFFE050] =	vst v22;
	v12 =	vpop (erf);
	(erf) = vrcp.f32 v13  }
0x157: {  	v10 =	vmul.f32 v10, v0;
	[tilespmem:s2+$0xFFFFE000] =	vst v12;
	v13 =	vld.idx.msk [tilespmem:v2+s22+$0x0], $0xffff;
	v12 =	vpop (erf);
	v9 =	vadd.f32 $1.000000000e+00, v9;
	(erf) = vrcp.f32 v23  }
0x158: {  	v23 =	vmul.f32 v24, v0;
	v22 =	vld.idx.msk [tilespmem:v20+s22+$0x0], $0xffff;
	[tilespmem:s2+$0xFFFFE060] =	vst v12;
	v12 =	vpop (erf);
	(erf) = vrcp.f32 v11  }
0x159: {  	v10 =	vadd.f32 $1.000000000e+00, v10;
	v8 =	vmul.f32 v8, v0;
	v24 =	vld.idx.msk [tilespmem:v5+s22+$0x0], $0xffff;
	[tilespmem:s0+$0x0] =	vst v12;
	(erf) = vrcp.f32 v9;
	v11 =	vpop (erf)  }
0x15a: {  	v9 =	vadd.f32 $1.000000000e+00, v23;
	v23 =	vmul.f32 v25, v0;
	v25 =	vld.idx.msk [tilespmem:v7+s24+$0x0], $0xffff;
	v7 =	vmul.f32 v26, v0;
	[tilespmem:s0+$0x10] =	vst v11  }
0x15b: {  	s15 =	simm.s32 $0x140;
	(erf) = vrcp.f32 v10;
	v10 =	vmul.f32 v27, v0;
	v26 =	vld.idx.msk [tilespmem:v6+s24+$0x0], $0xffff;
	v6 =	vadd.f32 $1.000000000e+00, v8  }
0x15c: {  	v12 =	vld [tilespmem:s15+$0x30];
	(erf) = vrcp.f32 v9;
	v8 =	vadd.f32 $1.000000000e+00, v23;
	v13 =	vmul.f32 v13, v0  }
0x15d: {  	v11 =	vld [tilespmem:s15+$0xFFFFFFD0];
	v7 =	vadd.f32 $1.000000000e+00, v7;
	(erf) = vrcp.f32 v6;
	v6 =	vmul.f32 v22, v0  }
0x15e: {  	v9 =	vld [tilespmem:s15+$0xFFFFFFE0];
	v10 =	vadd.f32 $1.000000000e+00, v10;
	(erf) = vrcp.f32 v8  }
0x15f: {  	v22 =	vpop (erf);
	v13 =	vadd.f32 $1.000000000e+00, v13;
	v8 =	vld [tilespmem:s15+$0xFFFFFFF0];
	(erf) = vrcp.f32 v7;
	v27 =	vadd.f32 $1.000000000e+00, v6  }
0x160: {  	v23 =	vpop (erf);
	v7 =	vld [tilespmem:s15+$0x0];
	(erf) = vrcp.f32 v10  }
0x161: {  	v45 =	vpop (erf);
	v6 =	vld [tilespmem:s15+$0x20];
	(erf) = vrcp.f32 v13  }
0x162: {  	v10 =	vld [tilespmem:s15+$0x10];
	v46 =	vpop (erf);
	(erf) = vrcp.f32 v27  }
0x163: {  	v13 =	vld [tilespmem:s15+$0xFFFFFFC0];
	v27 =	vpop (erf)  }
0x164: {  	v24 =	vmul.f32 v24, v0;
	v47 =	vld.idx.msk [tilespmem:v12+s14+$0x0], $0xffff;
	v48 =	vpop (erf)  }
0x165: {  	v49 =	vld.idx.msk [tilespmem:v11+s14+$0x0], $0xffff;
	[tilespmem:s2+$0xFFFFF070] =	vst v48;
	v50 =	vpop (erf)  }
0x166: {  	v24 =	vadd.f32 $1.000000000e+00, v24;
	v33 =	vld.idx.msk [tilespmem:v21+s23+$0x0], $0xffff;
	v34 =	vpop (erf)  }
0x167: {  	v25 =	vmul.f32 v25, v0;
	v35 =	vld.idx.msk [tilespmem:v9+s14+$0x0], $0xffff;
	v36 =	vpop (erf)  }
0x168: {  	[tilespmem:s0+$0x20] =	vst v22;
	v22 =	vmul.f32 v26, v0;
	(erf) = vrcp.f32 v24;
	v24 =	vld.idx.msk [tilespmem:v8+s14+$0x0], $0xffff;
	v37 =	vpop (erf)  }
0x169: {  	[tilespmem:s0+$0x30] =	vst v23;
	v23 =	vadd.f32 $1.000000000e+00, v25;
	v30 =	vmul.f32 v47, v0;
	v26 =	vld.idx.msk [tilespmem:v7+s14+$0x0], $0xffff;
	v38 =	vpop (erf)  }
0x16a: {  	v22 =	vadd.f32 $1.000000000e+00, v22;
	v32 =	vmul.f32 v49, v0;
	v25 =	vld.idx.msk [tilespmem:v10+s14+$0x0], $0xffff;
	v39 =	vpop (erf)  }
0x16b: {  	v30 =	vadd.f32 $1.000000000e+00, v30;
	v51 =	vld.idx.msk [tilespmem:v13+s14+$0x0], $0xffff;
	(erf) = vrcp.f32 v23;
	v40 =	vpop (erf);
	v33 =	vmul.f32 v33, v0  }
0x16c: {  	v52 =	vmul.f32 v35, v0;
	v23 =	vld.idx.msk [tilespmem:v6+s14+$0x0], $0xffff;
	(erf) = vrcp.f32 v22;
	v22 =	vadd.f32 $1.000000000e+00, v32;
	[tilespmem:s2+$0xFFFFF000] =	vst v40  }
0x16d: {  	[tilespmem:s2+$0xFFFFF020] =	vst v36;
	(erf) = vrcp.f32 v30;
	v24 =	vmul.f32 v24, v0;
	v53 =	vld.idx.msk [tilespmem:v20+s23+$0x0], $0xffff;
	v33 =	vadd.f32 $1.000000000e+00, v33  }
0x16e: {  	[tilespmem:s2+$0xFFFFF010] =	vst v50;
	v31 =	vadd.f32 $1.000000000e+00, v52;
	v26 =	vmul.f32 v26, v0;
	(erf) = vrcp.f32 v22;
	v22 =	vld.idx.msk [tilespmem:v3+s23+$0x0], $0xffff  }
0x16f: {  	[tilespmem:s0+$0x40] =	vst v45;
	v54 =	vld.idx.msk [tilespmem:v16+s23+$0x0], $0xffff;
	v25 =	vmul.f32 v25, v0;
	v24 =	vadd.f32 $1.000000000e+00, v24;
	(erf) = vrcp.f32 v33  }
0x170: {  	v19 =	vld.idx.msk [tilespmem:v19+s24+$0x0], $0xffff;
	[tilespmem:s0+$0x50] =	vst v46;
	v28 =	vmul.f32 v51, v0;
	v26 =	vadd.f32 $1.000000000e+00, v26;
	(erf) = vrcp.f32 v31  }
0x171: {  	v18 =	vld.idx.msk [tilespmem:v18+s24+$0x0], $0xffff;
	[tilespmem:s2+$0xFFFFF030] =	vst v37;
	v23 =	vmul.f32 v23, v0;
	v56 =	vpop (erf);
	(erf) = vrcp.f32 v24  }
0x172: {  	[tilespmem:s2+$0xFFFFF040] =	vst v38;
	v55 =	vld.idx.msk [tilespmem:v4+s23+$0x0], $0xffff;
	v25 =	vadd.f32 $1.000000000e+00, v25;
	(erf) = vrcp.f32 v26;
	v26 =	vmul.f32 v53, v0  }
0x173: {  	[tilespmem:s2+$0xFFFFF050] =	vst v39;
	v57 =	vld.idx.msk [tilespmem:v1+s23+$0x0], $0xffff;
	v28 =	vadd.f32 $1.000000000e+00, v28;
	v23 =	vadd.f32 $1.000000000e+00, v23;
	v22 =	vmul.f32 v22, v0  }
0x174: {  	[tilespmem:s2+$0xFFFFF060] =	vst v56;
	v24 =	vld.idx.msk [tilespmem:v2+s23+$0x0], $0xffff;
	(erf) = vrcp.f32 v25;
	v25 =	vmul.f32 v54, v0;
	v26 =	vadd.f32 $1.000000000e+00, v26  }
0x175: {  	[tilespmem:s0+$0x60] =	vst v27;
	v58 =	vld.idx.msk [tilespmem:v5+s23+$0x0], $0xffff;
	v27 =	vpop (erf);
	v22 =	vadd.f32 $1.000000000e+00, v22;
	(erf) = vrcp.f32 v28  }
0x176: {  	v17 =	vld.idx.msk [tilespmem:v17+s24+$0x0], $0xffff;
	v19 =	vmul.f32 v19, v0;
	[tilespmem:s0+$0x1000] =	vst v27;
	v27 =	vpop (erf);
	(erf) = vrcp.f32 v23;
	v23 =	vadd.f32 $1.000000000e+00, v25  }
0x177: {  	s1 =	simm.s32 $0x17200;
	[tilespmem:s0+$0x1010] =	vst v27;
	v27 =	vpop (erf);
	v25 =	vmul.f32 v55, v0;
	(erf) = vrcp.f32 v26  }
0x178: {  	v15 =	vld.idx.msk [tilespmem:v15+s24+$0x0], $0xffff;
	v59 =	vmul.f32 v57, v0;
	[tilespmem:s1+$0xFFFFE070] =	vst v27;
	(erf) = vrcp.f32 v23;
	v26 =	vpop (erf)  }
0x179: {  	v14 =	vld.idx.msk [tilespmem:v14+s24+$0x0], $0xffff;
	v24 =	vmul.f32 v24, v0;
	v25 =	vadd.f32 $1.000000000e+00, v25;
	(erf) = vrcp.f32 v22;
	[tilespmem:s1+$0xFFFFE010] =	vst v26;
	v22 =	vpop (erf)  }
0x17a: {  	v18 =	vmul.f32 v18, v0;
	v23 =	vld.idx.msk [tilespmem:v12+s22+$0x0], $0xffff;
	v27 =	vmul.f32 v58, v0;
	v26 =	vadd.f32 $1.000000000e+00, v59;
	v61 =	vpop (erf);
	[tilespmem:s2+$0x70] =	vst v22  }
0x17b: {  	v17 =	vmul.f32 v17, v0;
	v24 =	vadd.f32 $1.000000000e+00, v24;
	v60 =	vld.idx.msk [tilespmem:v11+s22+$0x0], $0xffff;
	(erf) = vrcp.f32 v25;
	[tilespmem:s1+$0xFFFFE020] =	vst v61;
	v22 =	vpop (erf)  }
0x17c: {  	v19 =	vadd.f32 $1.000000000e+00, v19;
	v25 =	vadd.f32 $1.000000000e+00, v27;
	v27 =	vld.idx.msk [tilespmem:v21+s24+$0x0], $0xffff;
	(erf) = vrcp.f32 v26;
	[tilespmem:s1+$0xFFFFE030] =	vst v22;
	v21 =	vpop (erf)  }
0x17d: {  	v15 =	vmul.f32 v15, v0;
	v17 =	vadd.f32 $1.000000000e+00, v17;
	v26 =	vld.idx.msk [tilespmem:v9+s22+$0x0], $0xffff;
	(erf) = vrcp.f32 v24;
	[tilespmem:s1+$0xFFFFE040] =	vst v21;
	v21 =	vpop (erf)  }
0x17e: {  	v14 =	vmul.f32 v14, v0;
	v22 =	vadd.f32 $1.000000000e+00, v18;
	v62 =	vld.idx.msk [tilespmem:v8+s22+$0x0], $0xffff;
	(erf) = vrcp.f32 v25;
	[tilespmem:s1+$0xFFFFE050] =	vst v21;
	v21 =	vpop (erf)  }
0x17f: {  	v15 =	vadd.f32 $1.000000000e+00, v15;
	v23 =	vmul.f32 v23, v0;
	v18 =	vld.idx.msk [tilespmem:v7+s22+$0x0], $0xffff;
	(erf) = vrcp.f32 v19;
	[tilespmem:s1+$0xFFFFE000] =	vst v21;
	v21 =	vpop (erf)  }
0x180: {  	v14 =	vadd.f32 $1.000000000e+00, v14;
	v19 =	vld.idx.msk [tilespmem:v10+s22+$0x0], $0xffff;
	(erf) = vrcp.f32 v22;
	v24 =	vmul.f32 v60, v0;
	[tilespmem:s1+$0xFFFFE060] =	vst v21;
	v25 =	vpop (erf)  }
0x181: {  	v63 =	vadd.f32 $1.000000000e+00, v23;
	v22 =	vld.idx.msk [tilespmem:v13+s22+$0x0], $0xffff;
	(erf) = vrcp.f32 v17;
	[tilespmem:s2+$0x0] =	vst v25;
	v25 =	vmul.f32 v27, v0  }
0x182: {  	[tilespmem:s0+$0x1070] =	vst v34;
	v21 =	vld.idx.msk [tilespmem:v6+s22+$0x0], $0xffff;
	v27 =	vpop (erf);
	(erf) = vrcp.f32 v15;
	v23 =	vadd.f32 $1.000000000e+00, v24;
	v24 =	vmul.f32 v26, v0  }
0x183: {  	v17 =	vld.idx.msk [tilespmem:v20+s24+$0x0], $0xffff;
	[tilespmem:s2+$0x10] =	vst v27;
	v26 =	vpop (erf);
	(erf) = vrcp.f32 v14;
	v20 =	vmul.f32 v62, v0  }
0x184: {  	s13 =	simm.s32 $0x100;
	s15 =	simm.s32 $0x1C0;
	v14 =	vmov v12;
	(erf) = vrcp.f32 v63;
	v15 =	vld.idx.msk [tilespmem:v16+s24+$0x0], $0xffff;
	[tilespmem:s2+$0x20] =	vst v26;
	v25 =	vadd.f32 $1.000000000e+00, v25;
	v16 =	vpop (erf)  }
.LBB2_5:
0x185: {  	v26 =	vld [tilespmem:s15+$0x30];
	s13 =	sadd.s32 $0x80, s13;
	v24 =	vadd.f32 $1.000000000e+00, v24;
	v27 =	vmul.f32 v18, v0;
	(erf) = vrcp.f32 v23;
	[tilespmem:s2+$0x30] =	vst v16;
	v16 =	vpop (erf)  }
0x186: {  	v28 =	vmul.f32 v19, v0;
	v23 =	vld [tilespmem:s15+$0xFFFFFFD0];
	p0 =	slt.u32 s13, $0xF80;
	v20 =	vadd.f32 $1.000000000e+00, v20;
	[tilespmem:s2+$0x40] =	vst v16;
	v16 =	vpop (erf);
	(erf) = vrcp.f32 v25  }
0x187: {  	v22 =	vmul.f32 v22, v0;
	v18 =	vld [tilespmem:s15+$0xFFFFFFE0];
	v25 =	vadd.f32 $1.000000000e+00, v27;
	(erf) = vrcp.f32 v24;
	[tilespmem:s2+$0x50] =	vst v16;
	v16 =	vpop (erf)  }
0x188: {  	v24 =	vadd.f32 $1.000000000e+00, v28;
	v21 =	vmul.f32 v21, v0;
	v19 =	vld [tilespmem:s15+$0xFFFFFFF0];
	(erf) = vrcp.f32 v20;
	[tilespmem:s2+$0x60] =	vst v16;
	v16 =	vpop (erf)  }
0x189: {  	v22 =	vadd.f32 $1.000000000e+00, v22;
	v27 =	vmul.f32 v17, v0;
	v20 =	vld [tilespmem:s15+$0x0];
	(erf) = vrcp.f32 v25;
	[tilespmem:s0+$0x1020] =	vst v16;
	v16 =	vpop (erf)  }
0x18a: {  	v21 =	vadd.f32 $1.000000000e+00, v21;
	v28 =	vmul.f32 v15, v0;
	v25 =	vld [tilespmem:s15+$0x10];
	(erf) = vrcp.f32 v24;
	[tilespmem:s0+$0x1030] =	vst v16;
	v16 =	vpop (erf)  }
0x18b: {  	v17 =	vmov v12;
	v24 =	vld [tilespmem:s15+$0x20];
	(erf) = vrcp.f32 v22;
	v22 =	vadd.f32 $1.000000000e+00, v27;
	[tilespmem:s0+$0x1040] =	vst v16;
	v16 =	vpop (erf)  }
0x18c: {  	v12 =	vmov v26;
	v29 =	vadd.f32 $1.000000000e+00, v28;
	v27 =	vld [tilespmem:s15+$0xFFFFFFC0];
	(erf) = vrcp.f32 v21;
	[tilespmem:s0+$0x1050] =	vst v16;
	v15 =	vpop (erf)  }
0x18d: {  	v28 =	vld.idx.msk [tilespmem:v26+s14+$0x0], $0xffff;
	v16 =	vpop (erf);
	(erf) = vrcp.f32 v22;
	[tilespmem:s0+$0x1060] =	vst v15;
	v15 =	vmov v11;
	v11 =	vmov v23;
	s0 =	smov.u32 s2;
	s2 =	smov.u32 s1  }
0x18e: {  	v21 =	vmov v2;
	v2 =	vmov v10;
	v22 =	vld.idx.msk [tilespmem:v23+s14+$0x0], $0xffff;
	[tilespmem:s1+$0xFFFFF070] =	vst v16;
	v16 =	vpop (erf);
	(erf) = vrcp.f32 v29  }
0x18f: {  	[tilespmem:s1+$0xFFFFF010] =	vst v16;
	v23 =	vld.idx.msk [tilespmem:v14+s23+$0x0], $0xffff;
	v16 =	vpop (erf);
	v14 =	vmov v26;
	v10 =	vmov v25;
	v26 =	vmov v5  }
0x190: {  	v5 =	vmov v6;
	v29 =	vld.idx.msk [tilespmem:v18+s14+$0x0], $0xffff;
	v30 =	vpop (erf);
	[tilespmem:s0+$0x1070] =	vst v16;
	v6 =	vmov v24;
	v16 =	vmov v13  }
0x191: {  	v24 =	vld.idx.msk [tilespmem:v19+s14+$0x0], $0xffff;
	[tilespmem:s1+$0xFFFFF020] =	vst v30;
	v30 =	vpop (erf);
	v13 =	vmov v27  }
0x192: {  	v31 =	vld.idx.msk [tilespmem:v20+s14+$0x0], $0xffff;
	[tilespmem:s1+$0xFFFFF030] =	vst v30;
	v30 =	vpop (erf)  }
0x193: {  	v28 =	vmul.f32 v28, v0;
	v25 =	vld.idx.msk [tilespmem:v25+s14+$0x0], $0xffff;
	[tilespmem:s1+$0xFFFFF040] =	vst v30;
	v30 =	vpop (erf)  }
0x194: {  	v22 =	vmul.f32 v22, v0;
	v27 =	vld.idx.msk [tilespmem:v27+s14+$0x0], $0xffff;
	[tilespmem:s1+$0xFFFFF050] =	vst v30;
	v30 =	vpop (erf)  }
0x195: {  	v28 =	vadd.f32 $1.000000000e+00, v28;
	v23 =	vmul.f32 v23, v0;
	v32 =	vld.idx.msk [tilespmem:v6+s14+$0x0], $0xffff;
	[tilespmem:s1+$0xFFFFF000] =	vst v30;
	v30 =	vpop (erf)  }
0x196: {  	v22 =	vadd.f32 $1.000000000e+00, v22;
	v29 =	vmul.f32 v29, v0;
	v33 =	vld.idx.msk [tilespmem:v16+s23+$0x0], $0xffff;
	[tilespmem:s1+$0xFFFFF060] =	vst v30;
	v30 =	vpop (erf)  }
0x197: {  	v24 =	vmul.f32 v24, v0;
	v23 =	vadd.f32 $1.000000000e+00, v23;
	(erf) = vrcp.f32 v28;
	v28 =	vld.idx.msk [tilespmem:v15+s23+$0x0], $0xffff;
	[tilespmem:s0+$0x1000] =	vst v30;
	v30 =	vpop (erf)  }
0x198: {  	v29 =	vadd.f32 $1.000000000e+00, v29;
	v31 =	vmul.f32 v31, v0;
	(erf) = vrcp.f32 v22;
	v22 =	vld.idx.msk [tilespmem:v9+s23+$0x0], $0xffff;
	[tilespmem:s0+$0x1010] =	vst v30  }
0x199: {  	v24 =	vadd.f32 $1.000000000e+00, v24;
	v25 =	vmul.f32 v25, v0;
	v30 =	vld.idx.msk [tilespmem:v8+s23+$0x0], $0xffff;
	(erf) = vrcp.f32 v23  }
0x19a: {  	v23 =	vmul.f32 v27, v0;
	v27 =	vadd.f32 $1.000000000e+00, v31;
	(erf) = vrcp.f32 v29;
	v29 =	vld.idx.msk [tilespmem:v7+s23+$0x0], $0xffff  }
0x19b: {  	v25 =	vadd.f32 $1.000000000e+00, v25;
	v31 =	vmul.f32 v32, v0;
	(erf) = vrcp.f32 v24;
	v24 =	vld.idx.msk [tilespmem:v2+s23+$0x0], $0xffff  }
0x19c: {  	v23 =	vadd.f32 $1.000000000e+00, v23;
	(erf) = vrcp.f32 v27;
	v27 =	vmul.f32 v33, v0;
	v32 =	vld.idx.msk [tilespmem:v5+s23+$0x0], $0xffff  }
0x19d: {  	v31 =	vadd.f32 $1.000000000e+00, v31;
	(erf) = vrcp.f32 v25;
	v25 =	vmul.f32 v28, v0;
	v28 =	vld.idx.msk [tilespmem:v3+s24+$0x0], $0xffff;
	v3 =	vmovc v9;
	v9 =	vmovc v18  }
0x19e: {  	v22 =	vmul.f32 v22, v0;
	(erf) = vrcp.f32 v23;
	v18 =	vadd.f32 $1.000000000e+00, v27;
	v23 =	vld.idx.msk [tilespmem:v4+s24+$0x0], $0xffff;
	v4 =	vmovc v8;
	v8 =	vmovc v19  }
0x19f: {  	(erf) = vrcp.f32 v31;
	v19 =	vadd.f32 $1.000000000e+00, v25;
	v25 =	vmul.f32 v30, v0;
	v27 =	vld.idx.msk [tilespmem:v1+s24+$0x0], $0xffff;
	v1 =	vmovc v7;
	v7 =	vmovc v20  }
0x1a0: {  	s1 =	sadd.s32 $0x80, s1;
	v31 =	vadd.f32 $1.000000000e+00, v22;
	v29 =	vmul.f32 v29, v0;
	v20 =	vpop (erf);
	(erf) = vrcp.f32 v18;
	v18 =	vld.idx.msk [tilespmem:v21+s24+$0x0], $0xffff  }
0x1a1: {  	v24 =	vmul.f32 v24, v0;
	[tilespmem:s1+$0xFFFFE070] =	vst v20;
	v20 =	vpop (erf);
	v21 =	vadd.f32 $1.000000000e+00, v25;
	(erf) = vrcp.f32 v19;
	v19 =	vld.idx.msk [tilespmem:v26+s24+$0x0], $0xffff  }
0x1a2: {  	v25 =	vadd.f32 $1.000000000e+00, v29;
	v26 =	vmul.f32 v32, v0;
	[tilespmem:s1+$0xFFFFE010] =	vst v20;
	v20 =	vld.idx.msk [tilespmem:v12+s22+$0x0], $0xffff;
	(erf) = vrcp.f32 v31;
	v22 =	vpop (erf)  }
0x1a3: {  	v24 =	vadd.f32 $1.000000000e+00, v24;
	v29 =	vld.idx.msk [tilespmem:v11+s22+$0x0], $0xffff;
	v30 =	vpop (erf);
	[tilespmem:s2+$0x70] =	vst v22;
	(erf) = vrcp.f32 v21;
	v21 =	vmul.f32 v28, v0  }
0x1a4: {  	v26 =	vadd.f32 $1.000000000e+00, v26;
	v23 =	vmul.f32 v23, v0;
	[tilespmem:s1+$0xFFFFE020] =	vst v30;
	v22 =	vpop (erf);
	v17 =	vld.idx.msk [tilespmem:v17+s24+$0x0], $0xffff;
	(erf) = vrcp.f32 v25  }
0x1a5: {  	v25 =	vld.idx.msk [tilespmem:v9+s22+$0x0], $0xffff;
	[tilespmem:s1+$0xFFFFE030] =	vst v22;
	v22 =	vpop (erf);
	(erf) = vrcp.f32 v24;
	v30 =	vadd.f32 $1.000000000e+00, v21;
	v24 =	vmul.f32 v27, v0  }
0x1a6: {  	v23 =	vadd.f32 $1.000000000e+00, v23;
	v27 =	vld.idx.msk [tilespmem:v8+s22+$0x0], $0xffff;
	[tilespmem:s1+$0xFFFFE040] =	vst v22;
	v22 =	vpop (erf);
	(erf) = vrcp.f32 v26;
	v26 =	vmul.f32 v18, v0  }
0x1a7: {  	v28 =	vmul.f32 v19, v0;
	v18 =	vld.idx.msk [tilespmem:v7+s22+$0x0], $0xffff;
	[tilespmem:s1+$0xFFFFE050] =	vst v22;
	v22 =	vpop (erf);
	v24 =	vadd.f32 $1.000000000e+00, v24;
	(erf) = vrcp.f32 v30  }
.Ltmp1:
0x1a8: {  	v31 =	vmul.f32 v20, v0;
	[tilespmem:s1+$0xFFFFE000] =	vst v22;
	v19 =	vld.idx.msk [tilespmem:v10+s22+$0x0], $0xffff;
	v21 =	vpop (erf);
	v26 =	vadd.f32 $1.000000000e+00, v26;
	(erf) = vrcp.f32 v23;
	(pc) =	sbr.rel @p0 .LBB2_5-.Ltmp1, $4  }
0x1a9: {  	v23 =	vmul.f32 v29, v0;
	v28 =	vadd.f32 $1.000000000e+00, v28;
	v22 =	vld.idx.msk [tilespmem:v13+s22+$0x0], $0xffff;
	[tilespmem:s1+$0xFFFFE060] =	vst v21;
	v29 =	vpop (erf);
	(erf) = vrcp.f32 v24  }
0x1aa: {  	v30 =	vadd.f32 $1.000000000e+00, v31;
	v21 =	vld.idx.msk [tilespmem:v6+s22+$0x0], $0xffff;
	[tilespmem:s2+$0x0] =	vst v29;
	v29 =	vmul.f32 v17, v0;
	v20 =	vpop (erf);
	(erf) = vrcp.f32 v26  }
0x1ab: {  	v23 =	vadd.f32 $1.000000000e+00, v23;
	v24 =	vmul.f32 v25, v0;
	v17 =	vld.idx.msk [tilespmem:v16+s24+$0x0], $0xffff;
	[tilespmem:s2+$0x10] =	vst v20;
	v16 =	vpop (erf);
	(erf) = vrcp.f32 v28  }
0x1ac: {  	s15 =	sadd.s32 $0x80, s15;
	v20 =	vmul.f32 v27, v0;
	(erf) = vrcp.f32 v30;
	v15 =	vld.idx.msk [tilespmem:v15+s24+$0x0], $0xffff;
	[tilespmem:s2+$0x20] =	vst v16;
	v25 =	vadd.f32 $1.000000000e+00, v29;
	v16 =	vpop (erf)  }
0x1ad: {  	v18 =	vmul.f32 v18, v0  }
0x1ae: {  	v24 =	vadd.f32 $1.000000000e+00, v24;
	v19 =	vmul.f32 v19, v0  }
0x1af: {  	(erf) = vrcp.f32 v23;
	v53 =	vpop (erf);
	v22 =	vmul.f32 v22, v0;
	v18 =	vadd.f32 $1.000000000e+00, v18  }
0x1b0: {  	v20 =	vadd.f32 $1.000000000e+00, v20;
	v26 =	vpop (erf);
	(erf) = vrcp.f32 v25;
	v19 =	vadd.f32 $1.000000000e+00, v19  }
0x1b1: {  	(erf) = vrcp.f32 v24;
	v54 =	vpop (erf);
	v22 =	vadd.f32 $1.000000000e+00, v22  }
0x1b2: {  	(erf) = vrcp.f32 v20;
	v55 =	vpop (erf)  }
0x1b3: {  	(erf) = vrcp.f32 v18;
	v18 =	vpop (erf)  }
0x1b4: {  	(erf) = vrcp.f32 v19;
	v19 =	vpop (erf)  }
0x1b5: {  	(erf) = vrcp.f32 v22;
	v22 =	vpop (erf)  }
0x1b6: {  	v25 =	vpop (erf)  }
0x1b7: {  	v27 =	vpop (erf)  }
0x1b8: {  	v21 =	vmul.f32 v21, v0;
	v28 =	vpop (erf)  }
0x1b9: {  	v29 =	vpop (erf)  }
0x1ba: {  	v21 =	vadd.f32 $1.000000000e+00, v21;
	v30 =	vpop (erf)  }
0x1bb: {  	v56 =	vpop (erf)  }
0x1bc: {  	(erf) = vrcp.f32 v21;
	v31 =	vpop (erf)  }
0x1bd: {  	v32 =	vpop (erf)  }
0x1be: {  	[tilespmem:s1+$0xFFFFF070] =	vst v27;
	v57 =	vpop (erf)  }
0x1bf: {  	v14 =	vld.idx.msk [tilespmem:v14+s23+$0x0], $0xffff;
	[tilespmem:s1+$0xFFFFF000] =	vst v57  }
0x1c0: {  	[tilespmem:s1+$0xFFFFF010] =	vst v28;
	v27 =	vld.idx.msk [tilespmem:v13+s23+$0x0], $0xffff  }
0x1c1: {  	v28 =	vld.idx.msk [tilespmem:v11+s23+$0x0], $0xffff;
	[tilespmem:s1+$0xFFFFF020] =	vst v30  }
0x1c2: {  	v17 =	vmul.f32 v17, v0;
	v58 =	vld.idx.msk [tilespmem:v9+s23+$0x0], $0xffff  }
0x1c3: {  	v15 =	vmul.f32 v15, v0;
	[tilespmem:s1+$0xFFFFF030] =	vst v56  }
0x1c4: {  	v17 =	vadd.f32 $1.000000000e+00, v17;
	[tilespmem:s1+$0xFFFFF040] =	vst v31;
	v59 =	vld.idx.msk [tilespmem:v8+s23+$0x0], $0xffff;
	v14 =	vmul.f32 v14, v0  }
0x1c5: {  	v15 =	vadd.f32 $1.000000000e+00, v15;
	[tilespmem:s1+$0xFFFFF050] =	vst v32;
	v61 =	vld.idx.msk [tilespmem:v7+s23+$0x0], $0xffff;
	v60 =	vpop (erf);
	v27 =	vmul.f32 v27, v0  }
0x1c6: {  	(erf) = vrcp.f32 v17;
	v62 =	vld.idx.msk [tilespmem:v10+s23+$0x0], $0xffff;
	v28 =	vmul.f32 v28, v0;
	v14 =	vadd.f32 $1.000000000e+00, v14;
	[tilespmem:s1+$0xFFFFF060] =	vst v60  }
0x1c7: {  	(erf) = vrcp.f32 v15;
	v21 =	vmul.f32 v58, v0;
	v63 =	vld.idx.msk [tilespmem:v6+s23+$0x0], $0xffff;
	v33 =	vadd.f32 $1.000000000e+00, v27  }
0x1c8: {  	v34 =	vadd.f32 $1.000000000e+00, v28;
	(erf) = vrcp.f32 v14  }
0x1c9: {  	v35 =	vmul.f32 v59, v0;
	v36 =	vadd.f32 $1.000000000e+00, v21;
	(erf) = vrcp.f32 v33  }
0x1ca: {  	v37 =	vmul.f32 v61, v0;
	(erf) = vrcp.f32 v34  }
0x1cb: {  	v38 =	vadd.f32 $1.000000000e+00, v35;
	v39 =	vmul.f32 v62, v0;
	(erf) = vrcp.f32 v36  }
0x1cc: {  	v40 =	vadd.f32 $1.000000000e+00, v37;
	v17 =	vmul.f32 v63, v0  }
0x1cd: {  	v3 =	vld.idx.msk [tilespmem:v3+s24+$0x0], $0xffff;
	v41 =	vadd.f32 $1.000000000e+00, v39;
	(erf) = vrcp.f32 v38  }
0x1ce: {  	[tilespmem:s2+$0x30] =	vst v16;
	v42 =	vadd.f32 $1.000000000e+00, v17;
	(erf) = vrcp.f32 v40  }
0x1cf: {  	[tilespmem:s2+$0x40] =	vst v53;
	v4 =	vld.idx.msk [tilespmem:v4+s24+$0x0], $0xffff;
	v43 =	vpop (erf);
	(erf) = vrcp.f32 v41  }
0x1d0: {  	[tilespmem:s2+$0x50] =	vst v26;
	v1 =	vld.idx.msk [tilespmem:v1+s24+$0x0], $0xffff;
	v44 =	vpop (erf);
	(erf) = vrcp.f32 v42  }
0x1d1: {  	[tilespmem:s2+$0x60] =	vst v54;
	v2 =	vld.idx.msk [tilespmem:v2+s24+$0x0], $0xffff;
	v45 =	vpop (erf)  }
0x1d2: {  	v5 =	vld.idx.msk [tilespmem:v5+s24+$0x0], $0xffff;
	v3 =	vmul.f32 v3, v0;
	[tilespmem:s1+$0x70] =	vst v45;
	v46 =	vpop (erf)  }
0x1d3: {  	v12 =	vld.idx.msk [tilespmem:v12+s24+$0x0], $0xffff;
	[tilespmem:s1+$0x0] =	vst v46;
	v47 =	vpop (erf)  }
0x1d4: {  	v4 =	vmul.f32 v4, v0;
	v3 =	vadd.f32 $1.000000000e+00, v3;
	v48 =	vld.idx.msk [tilespmem:v13+s24+$0x0], $0xffff;
	[tilespmem:s1+$0x10] =	vst v47;
	v49 =	vpop (erf)  }
0x1d5: {  	v1 =	vmul.f32 v1, v0;
	v50 =	vld.idx.msk [tilespmem:v11+s24+$0x0], $0xffff;
	[tilespmem:s1+$0x20] =	vst v49  }
0x1d6: {  	[tilespmem:s0+$0x1020] =	vst v55;
	v4 =	vadd.f32 $1.000000000e+00, v4;
	v2 =	vmul.f32 v2, v0;
	v51 =	vpop (erf);
	v53 =	vld.idx.msk [tilespmem:v9+s24+$0x0], $0xffff  }
0x1d7: {  	v1 =	vadd.f32 $1.000000000e+00, v1;
	v5 =	vmul.f32 v5, v0;
	(erf) = vrcp.f32 v3;
	[tilespmem:s1+$0x30] =	vst v51;
	v52 =	vpop (erf)  }
0x1d8: {  	v2 =	vadd.f32 $1.000000000e+00, v2;
	(erf) = vrcp.f32 v4;
	v55 =	vmul.f32 v12, v0;
	[tilespmem:s1+$0x40] =	vst v52;
	v3 =	vpop (erf);
	v54 =	vld.idx.msk [tilespmem:v8+s24+$0x0], $0xffff  }
0x1d9: {  	v5 =	vadd.f32 $1.000000000e+00, v5;
	[tilespmem:s1+$0x50] =	vst v3;
	v3 =	vpop (erf);
	v56 =	vld.idx.msk [tilespmem:v7+s24+$0x0], $0xffff;
	(erf) = vrcp.f32 v1;
	v1 =	vmul.f32 v48, v0  }
0x1da: {  	[tilespmem:s1+$0x60] =	vst v3;
	v3 =	vld.idx.msk [tilespmem:v10+s24+$0x0], $0xffff;
	(erf) = vrcp.f32 v2;
	v2 =	vadd.f32 $1.000000000e+00, v55;
	v57 =	vmul.f32 v50, v0  }
0x1db: {  	[tilespmem:s0+$0x1030] =	vst v18;
	v58 =	vld.idx.msk [tilespmem:v6+s24+$0x0], $0xffff;
	(erf) = vrcp.f32 v5;
	v1 =	vadd.f32 $1.000000000e+00, v1;
	v59 =	vmul.f32 v53, v0  }
0x1dc: {  	[tilespmem:s0+$0x1040] =	vst v19;
	(erf) = vrcp.f32 v2;
	v2 =	vadd.f32 $1.000000000e+00, v57  }
0x1dd: {  	[tilespmem:s0+$0x1050] =	vst v22;
	v60 =	vmul.f32 v54, v0;
	(erf) = vrcp.f32 v1;
	v1 =	vadd.f32 $1.000000000e+00, v59  }
0x1de: {  	[tilespmem:s0+$0x1060] =	vst v25;
	v61 =	vmul.f32 v56, v0  }
0x1df: {  	[tilespmem:s2+$0x1070] =	vst v29;
	(erf) = vrcp.f32 v2;
	v2 =	vadd.f32 $1.000000000e+00, v60;
	v3 =	vmul.f32 v3, v0  }
0x1e0: {  	[tilespmem:s2+$0x1000] =	vst v43;
	v62 =	vadd.f32 $1.000000000e+00, v61;
	v63 =	vmul.f32 v58, v0;
	(erf) = vrcp.f32 v1  }
0x1e1: {  	[tilespmem:s2+$0x1010] =	vst v44;
	v3 =	vadd.f32 $1.000000000e+00, v3;
	v1 =	vpop (erf);
	(erf) = vrcp.f32 v2  }
0x1e2: {  	v2 =	vadd.f32 $1.000000000e+00, v63;
	[tilespmem:s2+$0x1020] =	vst v1;
	v1 =	vpop (erf);
	(erf) = vrcp.f32 v62  }
0x1e3: {  	[tilespmem:s2+$0x1030] =	vst v1;
	v1 =	vpop (erf);
	(erf) = vrcp.f32 v3  }
0x1e4: {  	[tilespmem:s2+$0x1040] =	vst v1;
	v1 =	vpop (erf);
	(erf) = vrcp.f32 v2  }
0x1e5: {  	[tilespmem:s2+$0x1050] =	vst v1;
	v1 =	vpop (erf)  }
0x1e6: {  	[tilespmem:s2+$0x1060] =	vst v1;
	v1 =	vpop (erf)  }
0x1e7: {  	[tilespmem:s1+$0x1070] =	vst v1;
	v1 =	vpop (erf)  }
0x1e8: {  	[tilespmem:s1+$0x1000] =	vst v1;
	v1 =	vpop (erf)  }
0x1e9: {  	[tilespmem:s1+$0x1010] =	vst v1;
	v1 =	vpop (erf)  }
0x1ea: {  	[tilespmem:s1+$0x1020] =	vst v1;
	v1 =	vpop (erf)  }
0x1eb: {  	s29 =	sadd.s32 $0x1, s29;
	[tilespmem:s1+$0x1030] =	vst v1;
	v1 =	vpop (erf)  }
0x1ec: {  	p0 =	sne.s32 s29, $0x10;
	[tilespmem:s1+$0x1040] =	vst v1;
	v1 =	vpop (erf)  }
.Ltmp2:
0x1ed: {  	[tilespmem:s1+$0x1050] =	vst v1;
	v1 =	vpop (erf);
	(pc) =	sbr.rel @p0 .LBB2_2-.Ltmp2, $4  }
0x1ee: {  	s0 =	sadd.s32 @!p1 $0x1018, s30;
	s2 =	simm.s32 @!p1 $0x9100;
	[tilespmem:s1+$0x1060] =	vst v1;
	s1 =	simm.s32 @!p1 $0x4  }
0x1ef: {  	[tilespmem:s2], [sflag:$0x2] =	stream.indirect.gather @!p1 [hbm4b:s4+s1], $0x2000, s0, s1, $0xb8;
	[tilespmem:$0x19110] =	vst v63  }
0x1f0: {  	s31 =	sadd.s32 $0x800, s31  }
0x1f1: {  	[hbm4b:s31+s3] =	stream.linear.scatter [tilespmem:s25], [sflag:$0x4], $0x4000, $0x38;
	[tilespmem:$0x19110] =	vst v63  }
0x1f2: {  	s28 =	sadd.s32 $0x1, s28  }
0x1f3: {  	_ =	swait.ge [sflag:s26], $0x4000;
	p0 =	sne.s32 s28, s8  }
.Ltmp3:
0x1f4: {  	[sflag:s26] =	ssyncset.done $0x0;
	(pc) =	sbr.rel @p0 .LBB2_1-.Ltmp3, $4  }
0x1f5: {  	[sflag:s26] =	ssyncadd.s32 $0xFFFFC000  }
0x1f6: {  	_ =	swait.ge [sflag:s11], $0x4000  }
0x1f7: {  	[sflag:s11] =	ssyncset.done $0x0  }
0x1f8: {  	[sflag:s11] =	ssyncadd.s32 $0xFFFFC000  }
0x1f9: {  	_ =	sfence.sel $0x180000  }
0x1fa: {  	[bflag:$0x0] =	sbarrier.arrive $0xFFFF  }
0x1fb: {  	_ =	strace $0x9000004A  }
0x1fc: {  	s0 =	stileid.u32;
	[bflag:$0x2] =	sbarrier.arrive $0xFFFF  }
0x1fd: {  	p0 =	sne.s32 s0, $0x0;
	s0 =	rddreg [dreg:$0x3]  }
0x1fe: {  	s0 =	sadd.s32 @!p0 $0x100000, s0  }
0x1ff: {  	[sflag:s0] =	ssyncadd.tile.s32 @!p0 $0x1;
	_ =	shalt  }
.Lfunc_end2:
_tile_overlayer_lowered:
.L_overlay_start_2:
0x200: {  	(tag) =	ssettag $0x2  }
0x201: {  	s0 =	rddreg [dreg:$0x0];
	s2 =	stileid.u32  }
0x202: {  	s1 =	rddreg [dreg:$0x1];
	p0 =	sne.s32 s2, $0x0  }
0x203: {  	s3 =	rddreg [dreg:$0x2];
	[bflag:$0x3] =	sbarrier.arrive $0xFFFF;
	s2 =	simm.s32 @!p0 $0x1C05  }
0x204: {  	[timem:s3], [sflag:s2] =	dma.local @!p0 [hbm:s0], s1  }
0x205: {  	s0 =	simm.s32 @!p0 $0x5  }
0x206: {  	_ =	swait.ge @!p0 [sflag:s0], s1  }
0x207: {  	s1 =	ssub.s32 @!p0 $0x0, s1;
	[sflag:s0] =	ssyncset.done @!p0 $0x0  }
0x208: {  	[sflag:s0] =	ssyncadd.s32 @!p0 s1  }
0x209: {  	[bflag:$0x3] =	sbarrier.arrive $0xFFFF  }
0x20a: {  	_ =	shalt  }

// kernel: sparse-core-data-format-call.cloned.1.call-start
scs
called_computation_lowered:
.L_overlay_start_0:
0x0: {  	s2 =	sld [smem:$0x3FD9]  }
0x1: {  	s3 =	sld [smem:$0x3FFE];
	_ =	sdelay $0x1  }
0x2: {  	s1 =	srdreg.scid  }
0x3: {  	s0 =	sand.u32 $0x1, s1  }
0x4: {  	s18 =	sshll.u32 s0, $0xA;
	s2 =	sadd.s32 s3, s2  }
0x5: {  	s2 =	sadd.s32 s2, s18  }
0x6: {  	[smem:$0x3FC4] =	sst s2  }
0x7: {  	_ = 	snop  }
0x8: {  	s2 =	sld [smem:$0x3FC7];
	(tm) =	ssettm $0x1  }
0x9: {  	s19 =	sld [smem:$0x3FFB];
	_ =	sdelay $0x3  }
0xa: {  	_ =	strace s19  }
0xb: {  	s3 =	sld [smem:$0x3FFC];
	_ =	sdelay $0x3  }
0xc: {  	_ =	strace s3  }
0xd: {  	s3 =	sld [smem:$0x3FFD];
	_ =	sdelay $0x3  }
0xe: {  	_ =	strace s3  }
0xf: {  	_ =	strace $0x8FFFFFFF  }
0x10: {  	s20 =	sld [smem:$0x3FDB];
	_ =	sdelay $0x1  }
0x11: {  	s4 =	simm.s32 $_scs_section_size  }
0x12: {  	s5 =	simm.s32 $_size__tile_overlayer_lowered;
	s6 =	simm.s32 $_tile_overlayer_lowered  }
0x13: {  	s23 =	simm.s32 $0x1BFF;
	s22 =	sshll.u32 s6, $0x1;
	s3 =	sadd.s32 s4, s20  }
0x14: {  	s7 =	simm.s32 $0x0;
	s21 =	sshll.u32 s5, $0x1;
	s5 =	sadd.s32 s22, s3  }
0x15: {  	[timem:s7], [sflag:s23] =	dma.local [hbm:s5], s21  }
0x16: {  	_ =	swait.ge [sflag:s23], s21  }
0x17: {  	s4 =	ssub.s32 $0x0, s21;
	[sflag:s23] =	ssyncset.done $0x0  }
0x18: {  	[sflag:s23] =	ssyncadd.s32 s4;
	_ =	sdelay $0x1  }
0x19: {  	s24 =	simm.s32 $0x1B8B  }
0x1a: {  	_ =	swait.ge [sflag:s24], $0x1  }
0x1b: {  	[sflag:s24] =	ssyncset.done $0x0  }
0x1c: {  	s26 =	simm.s32 $0x1B8E;
	s25 =	sld [smem:$0x3FFE];
	[sflag:s24] =	ssyncadd.s32 $0xFFFFFFFF  }
0x1d: {  	s27 =	simm.s32 $execute0_lowered;
	[smem:$0x3FD2] =	sst s26  }
0x1e: {  	s5 =	sshll.u32 s27, $0x1;
	_ =	strace $0x80000046;
	[dreg:$0x1] =	wrdreg $0xFFFFFFFF  }
0x1f: {  	s28 =	simm.s32 $_size_execute0_lowered;
	s3 =	sadd.s32 s3, s5;
	[dreg:$0x0] =	wrdreg $0x0  }
0x20: {  	s5 =	sshll.u32 s28, $0x1;
	[dreg:$0x2] =	wrdreg s3  }
0x21: {  	[dreg:$0x3] =	wrdreg s5  }
0x22: {  	[dreg:$0x4] =	wrdreg $0xC0  }
0x23: {  	_ =	task [dreg:s7], $0x5FFFF  }
0x24: {  	[dreg:$0x1] =	wrdreg $0xFFFFFFFF  }
0x25: {  	[dreg:$0x0] =	wrdreg $0x60  }
0x26: {  	[dreg:$0x2] =	wrdreg s2  }
0x27: {  	[dreg:$0x3] =	wrdreg s25  }
0x28: {  	[dreg:$0x4] =	wrdreg $0x9  }
0x29: {  	_ =	task.clear_ibuf [dreg:s7], $0x5FFFF;
	_ =	strace $0x90000046  }
0x2a: {  	s29 =	simm.s32 $0x9;
	_ =	strace $0x80000048  }
0x2b: {  	_ =	swait.ge [sflag:s29], $0x1  }
0x2c: {  	[sflag:s29] =	ssyncadd.s32 $0xFFFFFFFF  }
0x2d: {  	_ =	strace $0x90000048  }
0x2e: {  	_ =	sfence  }
0x2f: {  	s30 =	sld [smem:$0x0];
	_ =	sdelay $0x2  }
0x30: {  	s31 =	sshll.u32 s1, $0xD;
	s1 =	sshrl.u32 s1, $0x2  }
0x31: {  	s3 =	sand.u32 $0x4000, s31;
	s1 =	sadd.s32 s1, s30  }
0x32: {  	s0 =	sor.u32 s3, s0;
	s1 =	sshll.u32 s1, $0x11  }
0x33: {  	s0 =	sor.u32 s1, s0  }
0x34: {  	s0 =	sadd.s32 $0x8F2B, s0  }
0x35: {  	[sflag:s0] =	ssyncadd.remote.s32 $0x1  }
0x36: {  	_ =	sfence.sel $0xFFFF  }
0x37: {  	[dreg:$0x0] =	wrdreg $0xFFFFFFFF;
	(pc) =	sbr.abs _section_cstart, $3  }
0x38: {  	[dreg:$0x1] =	wrdreg $0xFFFFFFFF  }
0x39: {  	_ =	task.clear_ibuf [dreg:s7], $0x2FFFF;
	_ =	strace $0x9FFFFFFF  }
0x3a: {  	(tm) =	ssettm $0x7FFFFFFF  }
0x3b: {  	_ =	shalt  }
tec
execute0_lowered:
.L_overlay_start_1:
0x0: {  	(tag) =	ssettag $0x1  }
0x1: {  	s2 =	rddreg [dreg:$0x0]  }
0x2: {  	s1 =	rddreg [dreg:$0x1]  }
0x3: {  	s0 =	rddreg [dreg:$0x2];
	_ =	strace $0x80000047;
	s4 =	srdreg.scid  }
0x4: {  	s6 =	simm.s32 $0x2;
	s11 =	simm.s32 $0x0;
	p0 =	por $0x0, $0x0  }
.Ltmp0:
0x5: {  	s7 =	simm.s32 $0x2000;
	s12 =	simm.s32 $0x0;
	(pc) =	sbr.rel .LBB1_1-.Ltmp0, $4  }
0x6: {  	s9 =	simm.s32 $0x0;
	s3 =	sadd.s32 $0xA00, s1;
	s5 =	sshll.u32 s4, $0x4  }
0x7: {  	s1 =	stileid.u32;
	s4 =	simm.s32 $0x1;
	s5 =	sand.u32 $0x10, s5  }
0x8: {  	s8 =	simm.s32 $0x0;
	[sflag:s4] =	ssyncpa.u1 $0x0;
	s5 =	sor.u32 s1, s5  }
0x9: {  	[sflag:s6] =	ssyncpa.u1 $0x0;
	s6 =	simm.s32 $0x800;
	s10 =	smov.u32 s5  }
.LBB1_7:
0xa: {  	s13 =	sadd.s32 $0x10, s9  }
0xb: {  	s11 =	sadd.s32 $0x20, s10;
	s15 =	smov.u32 s10;
	p2 =	sgt.s32 s13, $0x3F  }
0xc: {  	p1 =	slt.u32 s8, $0x2;
	s15 =	smov.u32 @p2 s11  }
0xd: {  	s8 =	sadd.s32 $0x1, s8;
	s13 =	simm.s32 @p2 $0x0;
	p2 =	sgt.s32 s15, $0x3FF  }
0xe: {  	s15 =	smov.u32 @p2 s5;
	p2 =	sne.s32 s8, $0x82  }
.Ltmp1:
0xf: {  	_ = 	snop;
	(pc) =	sbr.rel @!p2 .LBB1_8-.Ltmp1, $4  }
0x10: {  	s14 =	simm.s32 @!p1 $0x2  }
0x11: {  	s12 =	smov.u32 s10;
	_ =	swait.ge @!p1 [sflag:s14], $0x4000  }
0x12: {  	p0 =	por !p0, !p0;
	s11 =	smov.u32 s9;
	[sflag:s14] =	ssyncset.done @!p1 $0x0  }
0x13: {  	s9 =	smov.u32 s13;
	[sflag:s14] =	ssyncadd.s32 @!p1 $0xFFFFC000;
	s10 =	smov.u32 s15  }
.LBB1_1:
0x14: {  	p1 =	sgt.u32 s8, $0x7F  }
0x15: {  	s13 =	sxor.u32 @!p1 $0xFFFFFFFF, s8;
	s14 =	sshll.u32 @!p1 s10, $0xD  }
0x16: {  	s15 =	sshll.u32 @!p1 s9, $0x7;
	s13 =	sshll.u32 @!p1 s13, $0xE;
	s14 =	sadd.s32 @!p1 s2, s14  }
0x17: {  	s13 =	sand.u32 @!p1 $0x4000, s13;
	s14 =	sadd.s32 @!p1 s15, s14;
	s15 =	simm.s32 @!p1 $0x0  }
0x18: {  	[tilespmem:s13], [sflag:$0x1] =	stream.linear.gather @!p1 [hbm4b:s14+s15], $0x4000, $0x38;
	[tilespmem:$0x10000] =	vst v63  }
0x19: {  	p1 =	seq.s32 s8, $0x0  }
0x1a: {  	p2 =	seq.s32 @!p1 s8, $0x81  }
0x1b: {  	p1 =	por p1, p2  }
.Ltmp2:
0x1c: {  	_ = 	snop;
	(pc) =	sbr.rel @p1 .LBB1_7-.Ltmp2, $1  }
0x1d: {  	_ =	sdelay $0x3  }
0x1e: {  	s13 =	simm.s32 $0x1;
	_ =	swait.ge [sflag:s4], $0x4000;
	s16 =	sshll.u32 s8, $0xE  }
0x1f: {  	s13 =	simm.s32 @!p0 $0x0;
	[sflag:s4] =	ssyncset.done $0x0;
	s31 =	sand.u32 $0x4000, s16  }
0x20: {  	s16 =	simm.s32 $0x0;
	s14 =	sshll.u32 s13, $0xE;
	[sflag:s4] =	ssyncadd.s32 $0xFFFFC000  }
0x21: {  	s13 =	sor.u32 $0x8040, s14;
	s15 =	sor.u32 $0x40, s14;
	s14 =	sor.u32 $0x8000, s31  }
.LBB1_3:
0x22: {  	v0 =	vmov s15;
	_ =	sdelay $0x3  }
0x23: {  	s18 =	simm.s32 $0x0  }
0x24: {  	v6 =	vld.idx.msk [tilespmem:v0+s18+$0x30 ss:$0x1], $0xffff  }
0x25: {  	v7 =	vld.idx.msk [tilespmem:v0+s18+$0xFFFFFFC0 ss:$0x1], $0xffff  }
0x26: {  	v5 =	vld.idx.msk [tilespmem:v0+s18+$0xFFFFFFD0 ss:$0x1], $0xffff  }
0x27: {  	v4 =	vld.idx.msk [tilespmem:v0+s18+$0xFFFFFFE0 ss:$0x1], $0xffff  }
0x28: {  	v3 =	vld.idx.msk [tilespmem:v0+s18+$0xFFFFFFF0 ss:$0x1], $0xffff  }
0x29: {  	v1 =	vld.idx.msk [tilespmem:v0+s18+$0x0 ss:$0x1], $0xffff  }
0x2a: {  	v2 =	vld.idx.msk [tilespmem:v0+s18+$0x10 ss:$0x1], $0xffff;
	[tilespmem:s13+$0x30] =	vst v6  }
0x2b: {  	s17 =	simm.s32 $0x80;
	s19 =	simm.s32 $0x400;
	[tilespmem:s13+$0xFFFFFFC0] =	vst v7;
	v6 =	vld.idx.msk [tilespmem:v0+s18+$0x20 ss:$0x1], $0xffff;
	s18 =	smov.u32 s13  }
.LBB1_4:
0x2c: {  	p1 =	sne.s32 s19, $0xE00;
	v7 =	vld.idx.msk [tilespmem:v0+s17+$0x30 ss:$0x1], $0xffff;
	[tilespmem:s18+$0xFFFFFFD0] =	vst v5  }
0x2d: {  	v8 =	vld.idx.msk [tilespmem:v0+s17+$0xFFFFFFC0 ss:$0x1], $0xffff;
	[tilespmem:s18+$0xFFFFFFE0] =	vst v4  }
0x2e: {  	v5 =	vld.idx.msk [tilespmem:v0+s17+$0xFFFFFFD0 ss:$0x1], $0xffff;
	[tilespmem:s18+$0xFFFFFFF0] =	vst v3  }
.Ltmp3:
0x2f: {  	v4 =	vld.idx.msk [tilespmem:v0+s17+$0xFFFFFFE0 ss:$0x1], $0xffff;
	[tilespmem:s18+$0x0] =	vst v1;
	(pc) =	sbr.rel @p1 .LBB1_4-.Ltmp3, $4  }
0x30: {  	v3 =	vld.idx.msk [tilespmem:v0+s17+$0xFFFFFFF0 ss:$0x1], $0xffff;
	[tilespmem:s18+$0x10] =	vst v2  }
0x31: {  	v1 =	vld.idx.msk [tilespmem:v0+s17+$0x0 ss:$0x1], $0xffff;
	[tilespmem:s18+$0x20] =	vst v6;
	s18 =	sadd.s32 $0x800, s18  }
0x32: {  	v2 =	vld.idx.msk [tilespmem:v0+s17+$0x10 ss:$0x1], $0xffff;
	[tilespmem:s18+$0x30] =	vst v7  }
0x33: {  	[tilespmem:s18+$0xFFFFFFC0] =	vst v8;
	v6 =	vld.idx.msk [tilespmem:v0+s17+$0x20 ss:$0x1], $0xffff;
	s17 =	sshra.s32 s19, $0x2;
	s19 =	sadd.s32 $0x200, s19  }
0x34: {  	_ =	sdelay $0x2  }
0x35: {  	[tilespmem:s18+$0xFFFFFFD0] =	vst v5  }
0x36: {  	v56 =	vld.idx.msk [tilespmem:v0+s17+$0x30 ss:$0x1], $0xffff;
	[tilespmem:s18+$0xFFFFFFE0] =	vst v4  }
0x37: {  	v57 =	vld.idx.msk [tilespmem:v0+s17+$0xFFFFFFC0 ss:$0x1], $0xffff;
	[tilespmem:s18+$0xFFFFFFF0] =	vst v3  }
0x38: {  	v58 =	vld.idx.msk [tilespmem:v0+s17+$0xFFFFFFD0 ss:$0x1], $0xffff;
	[tilespmem:s18+$0x0] =	vst v1  }
0x39: {  	v59 =	vld.idx.msk [tilespmem:v0+s17+$0xFFFFFFE0 ss:$0x1], $0xffff;
	[tilespmem:s18+$0x10] =	vst v2  }
0x3a: {  	v60 =	vld.idx.msk [tilespmem:v0+s17+$0xFFFFFFF0 ss:$0x1], $0xffff;
	s31 =	sadd.s32 $0x800, s18;
	[tilespmem:s18+$0x20] =	vst v6  }
0x3b: {  	v61 =	vld.idx.msk [tilespmem:v0+s17+$0x0 ss:$0x1], $0xffff;
	[tilespmem:s31+$0x30] =	vst v56  }
0x3c: {  	v62 =	vld.idx.msk [tilespmem:v0+s17+$0x10 ss:$0x1], $0xffff;
	s16 =	sadd.s32 $0x1, s16;
	[tilespmem:s31+$0xFFFFFFC0] =	vst v57  }
0x3d: {  	v63 =	vld.idx.msk [tilespmem:v0+s17+$0x20 ss:$0x1], $0xffff;
	p1 =	sne.s32 s16, $0x10;
	[tilespmem:s31+$0xFFFFFFD0] =	vst v58  }
.Ltmp4:
0x3e: {  	[tilespmem:s31+$0xFFFFFFE0] =	vst v59;
	(pc) =	sbr.rel @p1 .LBB1_3-.Ltmp4, $4  }
0x3f: {  	[tilespmem:s31+$0xFFFFFFF0] =	vst v60  }
0x40: {  	[tilespmem:s31+$0x0] =	vst v61  }
0x41: {  	[tilespmem:s31+$0x10] =	vst v62  }
0x42: {  	s13 =	sadd.s32 $0x80, s13;
	s15 =	sadd.s32 $0x400, s15;
	[tilespmem:s31+$0x20] =	vst v63  }
.Ltmp5:
0x43: {  	(pc) =	sbr.rel .LBB1_7-.Ltmp5, $4  }
0x44: {  	s12 =	sshll.u32 s12, $0xD;
	s11 =	sshll.u32 s11, $0x4  }
0x45: {  	s11 =	sand.u32 $0x3F0, s11;
	s12 =	sadd.s32 s3, s12  }
0x46: {  	s11 =	sadd.s32 s11, s12  }
0x47: {  	[hbm4b:s11+s6] =	stream.strided.scatter [tilespmem:s14], [sflag:$0x2], $0x4000, s7, s6, $0x38;
	[tilespmem:$0x10000] =	vst v63  }
.LBB1_8:
0x48: {  	_ =	sfence.sel $0x180000  }
0x49: {  	s2 =	simm.s32 $0x1;
	[bflag:$0x0] =	sbarrier.arrive $0xFFFF  }
0x4a: {  	s31 =	simm.s32 $0x2;
	[sflag:s2] =	ssyncpa.u1 $0x1  }
0x4b: {  	[sflag:s31] =	ssyncpa.u1 $0x1  }
0x4c: {  	p0 =	sne.s32 s1, $0x0;
	_ =	strace $0x90000047  }
0x4d: {  	s0 =	sadd.s32 @!p0 $0x100000, s0;
	[bflag:$0x2] =	sbarrier.arrive $0xFFFF  }
0x4e: {  	[sflag:s0] =	ssyncadd.tile.s32 @!p0 $0x1;
	_ =	shalt  }
.Lfunc_end1:
_tile_overlayer_lowered:
.L_overlay_start_2:
0x4f: {  	(tag) =	ssettag $0x2  }
0x50: {  	s0 =	rddreg [dreg:$0x0];
	s2 =	stileid.u32  }
0x51: {  	s1 =	rddreg [dreg:$0x1];
	p0 =	sne.s32 s2, $0x0  }
0x52: {  	s3 =	rddreg [dreg:$0x2];
	[bflag:$0x3] =	sbarrier.arrive $0xFFFF;
	s2 =	simm.s32 @!p0 $0x1C01  }
0x53: {  	[timem:s3], [sflag:s2] =	dma.local @!p0 [hbm:s0], s1  }
0x54: {  	s0 =	simm.s32 @!p0 $0x1  }
0x55: {  	_ =	swait.ge @!p0 [sflag:s0], s1  }
0x56: {  	s1 =	ssub.s32 @!p0 $0x0, s1;
	[sflag:s0] =	ssyncset.done @!p0 $0x0  }
0x57: {  	[sflag:s0] =	ssyncadd.s32 @!p0 s1  }
0x58: {  	[bflag:$0x3] =	sbarrier.arrive $0xFFFF  }
0x59: {  	_ =	shalt  }

</sc_bundles>
